<compile_context>
chip_gen: v7x
topology: tpu7x:2x2x1
jax: 0.10.2.dev20260603
libtpu: 0.0.44.dev20260713+nightly
codegen_flags: <defaults>
</compile_context>

<pallas_src>
import functools

import jax
import jax.numpy as jnp
from jax import lax
from jax.experimental import pallas as pl
from jax.experimental.pallas import tpu as pltpu
from jax.experimental.pallas import tpu_sc as plsc

B = 16384
V1, D1 = 10000, 128
V2, D2 = 5000, 64
OUT = 10
DP = 16
PACK = 8
R1ROWS = V1 // PACK
R2ROWS = V2 // PACK

NC = 2
NS = 16
NW = NC * NS
BPW = B // NW
IDX_ROW = 128
NCHUNK = BPW // IDX_ROW
TPAD = BPW + 1



def _proj_body(t1_ref, t2_ref, w_ref, b_ref, o1_ref, o2a_ref, o2b_ref):
    w = w_ref[...]
    zpad = jnp.zeros((D1 + 2 * D2, DP - OUT), jnp.float32)
    w16 = jnp.concatenate([w, zpad], axis=1)
    w1 = w16[:D1]
    w2a = w16[D1:D1 + D2]
    w2b = w16[D1 + D2:]
    b16 = jnp.concatenate(
        [b_ref[...], jnp.zeros((1, DP - OUT), jnp.float32)], axis=1)
    for j in range(PACK):
        lanes = pl.ds(j * DP, DP)
        o1_ref[:, lanes] = jnp.dot(
            t1_ref[pl.ds(j * R1ROWS, R1ROWS), :], w1,
            preferred_element_type=jnp.float32) + b16
        t2j = t2_ref[pl.ds(j * R2ROWS, R2ROWS), :]
        o2a_ref[:, lanes] = jnp.dot(t2j, w2a,
                                    preferred_element_type=jnp.float32)
        o2b_ref[:, lanes] = jnp.dot(t2j, w2b,
                                    preferred_element_type=jnp.float32)



_sc_mesh = plsc.VectorSubcoreMesh(core_axis_name="c", subcore_axis_name="s")


@functools.partial(
    pl.kernel,
    mesh=_sc_mesh,
    compiler_params=pltpu.CompilerParams(
        use_tc_tiling_on_sc=False, needs_layout_passes=False),
    out_type=jax.ShapeDtypeStruct((NW, DP), jnp.float32),
    scratch_types=[pltpu.VMEM((1, DP), jnp.float32)],
)
def _warmup(out, rt):
    wid = lax.axis_index("s") * NC + lax.axis_index("c")
    pltpu.sync_copy(rt, out.at[pl.ds(wid, 1)])


@functools.partial(
    pl.kernel,
    mesh=_sc_mesh,
    compiler_params=pltpu.CompilerParams(
        use_tc_tiling_on_sc=False, needs_layout_passes=False),
    out_type=jax.ShapeDtypeStruct((OUT, B), jnp.float32),
    scratch_types=[
        pltpu.VMEM((NCHUNK, IDX_ROW), jnp.int32),
        pltpu.VMEM((NCHUNK, IDX_ROW), jnp.int32),
        pltpu.VMEM((NCHUNK, IDX_ROW), jnp.int32),
        pltpu.VMEM((BPW, DP), jnp.float32),
        pltpu.VMEM((BPW, DP), jnp.float32),
        pltpu.VMEM((BPW, DP), jnp.float32),
        pltpu.VMEM((DP, TPAD), jnp.float32),
        pltpu.SemaphoreType.DMA,
        pltpu.SemaphoreType.DMA,
        pltpu.SemaphoreType.DMA,
        pltpu.SemaphoreType.DMA,
    ],
)
def _gather_sum(p1, p2a, p2b, i_all, warm, out_t,
                idx1, idx2, idx3, r1, r2, r3, rt,
                sem0, sem1, sem2, sem3):
    del warm
    sems = [sem0, sem1, sem2, sem3]
    wid = lax.axis_index("s") * NC + lax.axis_index("c")
    rowbase = wid * NCHUNK
    nrow = B // IDX_ROW
    ic = [pltpu.async_copy(i_all.at[pl.ds(rowbase, NCHUNK)], idx1, sem0),
          pltpu.async_copy(i_all.at[pl.ds(nrow + rowbase, NCHUNK)], idx2, sem1),
          pltpu.async_copy(i_all.at[pl.ds(2 * nrow + rowbase, NCHUNK)], idx3, sem2)]
    for c in ic:
        c.wait()
    handles = []
    for j in range(NCHUNK):
        dst = pl.ds(j * IDX_ROW, IDX_ROW)
        handles.append([
            pltpu.async_copy(p1.at[idx1.at[j]], r1.at[dst], sems[j]),
            pltpu.async_copy(p2a.at[idx2.at[j]], r2.at[dst], sems[j]),
            pltpu.async_copy(p2b.at[idx3.at[j]], r3.at[dst], sems[j]),
        ])

    lane = lax.iota(jnp.int32, DP)
    UNROLL = 4

    def body(iu, carry):
        for k in range(UNROLL):
            i = iu * UNROLL + k
            s = r1[i] + r2[i] + r3[i]
            plsc.store_scatter(rt, [lane, jnp.full((DP,), i, jnp.int32)], s)
        return carry

    step = IDX_ROW // UNROLL
    for j in range(NCHUNK):
        for c in handles[j]:
            c.wait()
        lax.fori_loop(j * step, (j + 1) * step, body, 0)

    pltpu.sync_copy(rt.at[pl.ds(0, OUT), pl.ds(0, BPW)],
                    out_t.at[:, pl.ds(wid * BPW, BPW)])



def _remap(v, nrows):
    q = lax.div(v, jnp.int32(nrows))
    return PACK * (v - q * nrows) + q


def kernel(indices1, indices2, table1, table2, W, b):
    W = W.astype(jnp.float32)

    p1p, p2ap, p2bp = pl.pallas_call(
        _proj_body,
        out_shape=(
            jax.ShapeDtypeStruct((R1ROWS, PACK * DP), jnp.float32),
            jax.ShapeDtypeStruct((R2ROWS, PACK * DP), jnp.float32),
            jax.ShapeDtypeStruct((R2ROWS, PACK * DP), jnp.float32),
        ),
    )(table1, table2, W, b.reshape(1, OUT))

    p1 = p1p.reshape(V1, DP)
    p2a = p2ap.reshape(V2, DP)
    p2b = p2bp.reshape(V2, DP)

    i2 = indices2.astype(jnp.int32)
    i_all = jnp.stack([
        _remap(indices1.astype(jnp.int32), R1ROWS),
        _remap(i2[:, 0], R2ROWS),
        _remap(i2[:, 1], R2ROWS),
    ]).reshape(3 * (B // IDX_ROW), IDX_ROW)

    warm = _warmup()
    out_t = _gather_sum(p1, p2a, p2b, i_all, warm)
    return out_t.T

# --- scband reference (transcript-rebuilt; emitter-appended) ---
"""Pipeline reference for scband-example-model-14431090114726 (READ-ONLY COPY).

The authoritative reference and input builder live on the scoring server;
editing this copy changes nothing except your own understanding.
"""

import jax, jax.numpy as jnp
import numpy as np

B = 16384
V1, D1 = 10000, 128
V2, D2 = 5000, 64
OUT = 10

def setup_inputs(seed: int = 0) -> dict:
    key = jax.random.key(seed)
    k1, k2, k3, k4, k5, k6 = jax.random.split(key, 6)
    indices1 = jax.random.randint(k1, (B,), 0, V1, dtype=jnp.int64) if jax.config.jax_enable_x64 else jax.random.randint(k1, (B,), 0, V1).astype(jnp.int32)
    indices2 = jax.random.randint(k2, (B, 2), 0, V2, dtype=jnp.int64) if jax.config.jax_enable_x64 else jax.random.randint(k2, (B, 2), 0, V2).astype(jnp.int32)
    table1 = jax.random.normal(k3, (V1, D1), dtype=jnp.float32)
    table2 = jax.random.normal(k4, (V2, D2), dtype=jnp.float32)
    W = jax.random.normal(k5, (D1 + 2 * D2, OUT), dtype=jnp.float32) * (1.0 / np.sqrt(D1 + 2 * D2))
    b = jax.random.normal(k6, (OUT,), dtype=jnp.float32) * 0.01
    return {"indices1": indices1, "indices2": indices2, "table1": table1, "table2": table2, "W": W, "b": b}

def reference(indices1, indices2, table1, table2, W, b):
    # embedding lookups (gather)
    e1 = jnp.take(table1, indices1, axis=0)              # [B, 128]
    e2 = jnp.take(table2, indices2, axis=0)              # [B, 2, 64]
    e2 = e2.reshape(e2.shape[0], -1)                     # [B, 128]
    x = jnp.concatenate([e1, e2], axis=-1)               # [B, 256]
    return x @ W + b                                     # [B, 10]

if __name__ == "__main__":
    import jax
    _d = setup_inputs()
    print(jax.jit(kernel)(*tuple(_d.values())))

</pallas_src>

<mosaic_0001>
#map = affine_map<(d0, d1) -> (0, 0)>
module attributes {stable_mosaic.version = 14 : i64} {
  func.func @_gather_sum(%arg0: i32, %arg1: i32, %arg2: memref<10000x16xf32, #tpu.memory_space<hbm>>, %arg3: memref<5000x16xf32, #tpu.memory_space<hbm>>, %arg4: memref<5000x16xf32, #tpu.memory_space<hbm>>, %arg5: memref<384x128xi32, #tpu.memory_space<hbm>>, %arg6: memref<32x16xf32, #tpu.memory_space<hbm>>, %arg7: memref<10x16384xf32, #tpu.memory_space<hbm>>, %arg8: memref<4x128xi32, #tpu.memory_space<vmem>>, %arg9: memref<4x128xi32, #tpu.memory_space<vmem>>, %arg10: memref<4x128xi32, #tpu.memory_space<vmem>>, %arg11: memref<512x16xf32, #tpu.memory_space<vmem>>, %arg12: memref<512x16xf32, #tpu.memory_space<vmem>>, %arg13: memref<512x16xf32, #tpu.memory_space<vmem>>, %arg14: memref<16x513xf32, #tpu.memory_space<vmem>>, %arg15: memref<!tpu.dma_semaphore, #tpu.memory_space<semaphore_mem>>, %arg16: memref<!tpu.dma_semaphore, #tpu.memory_space<semaphore_mem>>, %arg17: memref<!tpu.dma_semaphore, #tpu.memory_space<semaphore_mem>>, %arg18: memref<!tpu.dma_semaphore, #tpu.memory_space<semaphore_mem>>) attributes {dimension_semantics = [#tpu.dimension_semantics<core_parallel>, #tpu.dimension_semantics<subcore_parallel>], iteration_bounds = array<i64: 2, 16>, scalar_prefetch = 0 : i64, scratch_operands = 11 : i64, tpu.core_type = #tpu.core_type<sc_vector_subcore>, window_params = [{transform_indices = #map}, {transform_indices = #map}, {transform_indices = #map}, {transform_indices = #map}, {transform_indices = #map}, {transform_indices = #map}]} {
    %mul3A = arith.constant 2 : i32
    %mul3A_0 = arith.muli %arg1, %mul3A : i32
    %add3A = arith.addi %mul3A_0, %arg0 : i32
    %mul3A_1 = arith.constant 4 : i32
    %mul3A_2 = arith.muli %add3A, %mul3A_1 : i32
    %dma_start3A = arith.constant 0 : i32
    %dma_start3A_3 = tpu.memref_slice %arg5[%mul3A_2, %dma_start3A] : memref<384x128xi32, #tpu.memory_space<hbm>> -> memref<4x128xi32, #tpu.memory_space<hbm>>
    %dma_start3A_4 = arith.constant 0 : i32
    %dma_start3A_5 = tpu.memref_slice %arg5[%mul3A_2, %dma_start3A_4] : memref<384x128xi32, #tpu.memory_space<hbm>> -> memref<4x128xi32, #tpu.memory_space<hbm>>
    tpu.enqueue_dma source(%dma_start3A_5 : memref<4x128xi32, #tpu.memory_space<hbm>>) target(%arg8 : memref<4x128xi32, #tpu.memory_space<vmem>>) target_semaphore(%arg15 : memref<!tpu.dma_semaphore, #tpu.memory_space<semaphore_mem>>)
    %add3A_6 = arith.constant 128 : i32
    %add3A_7 = arith.addi %add3A_6, %mul3A_2 : i32
    %dma_start3A_8 = arith.constant 0 : i32
    %dma_start3A_9 = tpu.memref_slice %arg5[%add3A_7, %dma_start3A_8] : memref<384x128xi32, #tpu.memory_space<hbm>> -> memref<4x128xi32, #tpu.memory_space<hbm>>
    %dma_start3A_10 = arith.constant 0 : i32
    %dma_start3A_11 = tpu.memref_slice %arg5[%add3A_7, %dma_start3A_10] : memref<384x128xi32, #tpu.memory_space<hbm>> -> memref<4x128xi32, #tpu.memory_space<hbm>>
    tpu.enqueue_dma source(%dma_start3A_11 : memref<4x128xi32, #tpu.memory_space<hbm>>) target(%arg9 : memref<4x128xi32, #tpu.memory_space<vmem>>) target_semaphore(%arg16 : memref<!tpu.dma_semaphore, #tpu.memory_space<semaphore_mem>>)
    %add3A_12 = arith.constant 256 : i32
    %add3A_13 = arith.addi %add3A_12, %mul3A_2 : i32
    %dma_start3A_14 = arith.constant 0 : i32
    %dma_start3A_15 = tpu.memref_slice %arg5[%add3A_13, %dma_start3A_14] : memref<384x128xi32, #tpu.memory_space<hbm>> -> memref<4x128xi32, #tpu.memory_space<hbm>>
    %dma_start3A_16 = arith.constant 0 : i32
    %dma_start3A_17 = tpu.memref_slice %arg5[%add3A_13, %dma_start3A_16] : memref<384x128xi32, #tpu.memory_space<hbm>> -> memref<4x128xi32, #tpu.memory_space<hbm>>
    tpu.enqueue_dma source(%dma_start3A_17 : memref<4x128xi32, #tpu.memory_space<hbm>>) target(%arg10 : memref<4x128xi32, #tpu.memory_space<vmem>>) target_semaphore(%arg17 : memref<!tpu.dma_semaphore, #tpu.memory_space<semaphore_mem>>)
    %dma_wait3A = arith.constant 0 : i32
    %dma_wait3A_18 = tpu.memref_slice %arg5[%mul3A_2, %dma_wait3A] : memref<384x128xi32, #tpu.memory_space<hbm>> -> memref<4x128xi32, #tpu.memory_space<hbm>>
    %dma_wait3A_19 = arith.constant 0 : i32
    %dma_wait3A_20 = tpu.memref_slice %arg5[%mul3A_2, %dma_wait3A_19] : memref<384x128xi32, #tpu.memory_space<hbm>> -> memref<4x128xi32, #tpu.memory_space<hbm>>
    tpu.wait_dma2 semaphore(%arg15 : memref<!tpu.dma_semaphore, #tpu.memory_space<semaphore_mem>>) src(%dma_wait3A_20 : memref<4x128xi32, #tpu.memory_space<hbm>>) dst(%arg8 : memref<4x128xi32, #tpu.memory_space<vmem>>)
    %dma_wait3A_21 = arith.constant 0 : i32
    %dma_wait3A_22 = tpu.memref_slice %arg5[%add3A_7, %dma_wait3A_21] : memref<384x128xi32, #tpu.memory_space<hbm>> -> memref<4x128xi32, #tpu.memory_space<hbm>>
    %dma_wait3A_23 = arith.constant 0 : i32
    %dma_wait3A_24 = tpu.memref_slice %arg5[%add3A_7, %dma_wait3A_23] : memref<384x128xi32, #tpu.memory_space<hbm>> -> memref<4x128xi32, #tpu.memory_space<hbm>>
    tpu.wait_dma2 semaphore(%arg16 : memref<!tpu.dma_semaphore, #tpu.memory_space<semaphore_mem>>) src(%dma_wait3A_24 : memref<4x128xi32, #tpu.memory_space<hbm>>) dst(%arg9 : memref<4x128xi32, #tpu.memory_space<vmem>>)
    %dma_wait3A_25 = arith.constant 0 : i32
    %dma_wait3A_26 = tpu.memref_slice %arg5[%add3A_13, %dma_wait3A_25] : memref<384x128xi32, #tpu.memory_space<hbm>> -> memref<4x128xi32, #tpu.memory_space<hbm>>
    %dma_wait3A_27 = arith.constant 0 : i32
    %dma_wait3A_28 = tpu.memref_slice %arg5[%add3A_13, %dma_wait3A_27] : memref<384x128xi32, #tpu.memory_space<hbm>> -> memref<4x128xi32, #tpu.memory_space<hbm>>
    tpu.wait_dma2 semaphore(%arg17 : memref<!tpu.dma_semaphore, #tpu.memory_space<semaphore_mem>>) src(%dma_wait3A_28 : memref<4x128xi32, #tpu.memory_space<hbm>>) dst(%arg10 : memref<4x128xi32, #tpu.memory_space<vmem>>)
    %dma_start3A_29 = arith.constant 0 : i32
    %dma_start3A_30 = arith.constant 0 : i32
    %dma_start3A_31 = arith.constant 0 : i32
    %dma_start3A_32 = tpu.memref_slice %arg11[%dma_start3A_30, %dma_start3A_31] : memref<512x16xf32, #tpu.memory_space<vmem>> -> memref<128x16xf32, #tpu.memory_space<vmem>>
    %dma_start3A_33 = arith.constant 0 : i32
    %dma_start3A_34 = tpu.memref_slice %arg8[%dma_start3A_29, %dma_start3A_33] : memref<4x128xi32, #tpu.memory_space<vmem>> -> memref<1x128xi32, #tpu.memory_space<vmem>>
    %dma_start3A_35 = tpu.memref_squeeze %dma_start3A_34 : memref<1x128xi32, #tpu.memory_space<vmem>> -> memref<128xi32, #tpu.memory_space<vmem>>
    %dma_start3A_36 = arith.constant 0 : i32
    %dma_start3A_37 = arith.constant 0 : i32
    %dma_start3A_38 = tpu.memref_slice %arg2[%dma_start3A_36, %dma_start3A_37] : memref<10000x16xf32, #tpu.memory_space<hbm>> -> memref<10000x16xf32, #tpu.memory_space<hbm>>
    tpu.enqueue_indirect_dma source(%dma_start3A_38 : memref<10000x16xf32, #tpu.memory_space<hbm>>) target(%dma_start3A_32 : memref<128x16xf32, #tpu.memory_space<vmem>>) offsets(%dma_start3A_35 : memref<128xi32, #tpu.memory_space<vmem>>) semaphore(%arg15 : memref<!tpu.dma_semaphore, #tpu.memory_space<semaphore_mem>>)
    %dma_start3A_39 = arith.constant 0 : i32
    %dma_start3A_40 = arith.constant 0 : i32
    %dma_start3A_41 = arith.constant 0 : i32
    %dma_start3A_42 = tpu.memref_slice %arg12[%dma_start3A_40, %dma_start3A_41] : memref<512x16xf32, #tpu.memory_space<vmem>> -> memref<128x16xf32, #tpu.memory_space<vmem>>
    %dma_start3A_43 = arith.constant 0 : i32
    %dma_start3A_44 = tpu.memref_slice %arg9[%dma_start3A_39, %dma_start3A_43] : memref<4x128xi32, #tpu.memory_space<vmem>> -> memref<1x128xi32, #tpu.memory_space<vmem>>
    %dma_start3A_45 = tpu.memref_squeeze %dma_start3A_44 : memref<1x128xi32, #tpu.memory_space<vmem>> -> memref<128xi32, #tpu.memory_space<vmem>>
    %dma_start3A_46 = arith.constant 0 : i32
    %dma_start3A_47 = arith.constant 0 : i32
    %dma_start3A_48 = tpu.memref_slice %arg3[%dma_start3A_46, %dma_start3A_47] : memref<5000x16xf32, #tpu.memory_space<hbm>> -> memref<5000x16xf32, #tpu.memory_space<hbm>>
    tpu.enqueue_indirect_dma source(%dma_start3A_48 : memref<5000x16xf32, #tpu.memory_space<hbm>>) target(%dma_start3A_42 : memref<128x16xf32, #tpu.memory_space<vmem>>) offsets(%dma_start3A_45 : memref<128xi32, #tpu.memory_space<vmem>>) semaphore(%arg15 : memref<!tpu.dma_semaphore, #tpu.memory_space<semaphore_mem>>)
    %dma_start3A_49 = arith.constant 0 : i32
    %dma_start3A_50 = arith.constant 0 : i32
    %dma_start3A_51 = arith.constant 0 : i32
    %dma_start3A_52 = tpu.memref_slice %arg13[%dma_start3A_50, %dma_start3A_51] : memref<512x16xf32, #tpu.memory_space<vmem>> -> memref<128x16xf32, #tpu.memory_space<vmem>>
    %dma_start3A_53 = arith.constant 0 : i32
    %dma_start3A_54 = tpu.memref_slice %arg10[%dma_start3A_49, %dma_start3A_53] : memref<4x128xi32, #tpu.memory_space<vmem>> -> memref<1x128xi32, #tpu.memory_space<vmem>>
    %dma_start3A_55 = tpu.memref_squeeze %dma_start3A_54 : memref<1x128xi32, #tpu.memory_space<vmem>> -> memref<128xi32, #tpu.memory_space<vmem>>
    %dma_start3A_56 = arith.constant 0 : i32
    %dma_start3A_57 = arith.constant 0 : i32
    %dma_start3A_58 = tpu.memref_slice %arg4[%dma_start3A_56, %dma_start3A_57] : memref<5000x16xf32, #tpu.memory_space<hbm>> -> memref<5000x16xf32, #tpu.memory_space<hbm>>
    tpu.enqueue_indirect_dma source(%dma_start3A_58 : memref<5000x16xf32, #tpu.memory_space<hbm>>) target(%dma_start3A_52 : memref<128x16xf32, #tpu.memory_space<vmem>>) offsets(%dma_start3A_55 : memref<128xi32, #tpu.memory_space<vmem>>) semaphore(%arg15 : memref<!tpu.dma_semaphore, #tpu.memory_space<semaphore_mem>>)
    %dma_start3A_59 = arith.constant 1 : i32
    %dma_start3A_60 = arith.constant 128 : i32
    %dma_start3A_61 = arith.constant 0 : i32
    %dma_start3A_62 = tpu.memref_slice %arg11[%dma_start3A_60, %dma_start3A_61] : memref<512x16xf32, #tpu.memory_space<vmem>> -> memref<128x16xf32, #tpu.memory_space<vmem>>
    %dma_start3A_63 = arith.constant 0 : i32
    %dma_start3A_64 = tpu.memref_slice %arg8[%dma_start3A_59, %dma_start3A_63] : memref<4x128xi32, #tpu.memory_space<vmem>> -> memref<1x128xi32, #tpu.memory_space<vmem>>
    %dma_start3A_65 = tpu.memref_squeeze %dma_start3A_64 : memref<1x128xi32, #tpu.memory_space<vmem>> -> memref<128xi32, #tpu.memory_space<vmem>>
    %dma_start3A_66 = arith.constant 0 : i32
    %dma_start3A_67 = arith.constant 0 : i32
    %dma_start3A_68 = tpu.memref_slice %arg2[%dma_start3A_66, %dma_start3A_67] : memref<10000x16xf32, #tpu.memory_space<hbm>> -> memref<10000x16xf32, #tpu.memory_space<hbm>>
    tpu.enqueue_indirect_dma source(%dma_start3A_68 : memref<10000x16xf32, #tpu.memory_space<hbm>>) target(%dma_start3A_62 : memref<128x16xf32, #tpu.memory_space<vmem>>) offsets(%dma_start3A_65 : memref<128xi32, #tpu.memory_space<vmem>>) semaphore(%arg16 : memref<!tpu.dma_semaphore, #tpu.memory_space<semaphore_mem>>)
    %dma_start3A_69 = arith.constant 1 : i32
    %dma_start3A_70 = arith.constant 128 : i32
    %dma_start3A_71 = arith.constant 0 : i32
    %dma_start3A_72 = tpu.memref_slice %arg12[%dma_start3A_70, %dma_start3A_71] : memref<512x16xf32, #tpu.memory_space<vmem>> -> memref<128x16xf32, #tpu.memory_space<vmem>>
    %dma_start3A_73 = arith.constant 0 : i32
    %dma_start3A_74 = tpu.memref_slice %arg9[%dma_start3A_69, %dma_start3A_73] : memref<4x128xi32, #tpu.memory_space<vmem>> -> memref<1x128xi32, #tpu.memory_space<vmem>>
    %dma_start3A_75 = tpu.memref_squeeze %dma_start3A_74 : memref<1x128xi32, #tpu.memory_space<vmem>> -> memref<128xi32, #tpu.memory_space<vmem>>
    %dma_start3A_76 = arith.constant 0 : i32
    %dma_start3A_77 = arith.constant 0 : i32
    %dma_start3A_78 = tpu.memref_slice %arg3[%dma_start3A_76, %dma_start3A_77] : memref<5000x16xf32, #tpu.memory_space<hbm>> -> memref<5000x16xf32, #tpu.memory_space<hbm>>
    tpu.enqueue_indirect_dma source(%dma_start3A_78 : memref<5000x16xf32, #tpu.memory_space<hbm>>) target(%dma_start3A_72 : memref<128x16xf32, #tpu.memory_space<vmem>>) offsets(%dma_start3A_75 : memref<128xi32, #tpu.memory_space<vmem>>) semaphore(%arg16 : memref<!tpu.dma_semaphore, #tpu.memory_space<semaphore_mem>>)
    %dma_start3A_79 = arith.constant 1 : i32
    %dma_start3A_80 = arith.constant 128 : i32
    %dma_start3A_81 = arith.constant 0 : i32
    %dma_start3A_82 = tpu.memref_slice %arg13[%dma_start3A_80, %dma_start3A_81] : memref<512x16xf32, #tpu.memory_space<vmem>> -> memref<128x16xf32, #tpu.memory_space<vmem>>
    %dma_start3A_83 = arith.constant 0 : i32
    %dma_start3A_84 = tpu.memref_slice %arg10[%dma_start3A_79, %dma_start3A_83] : memref<4x128xi32, #tpu.memory_space<vmem>> -> memref<1x128xi32, #tpu.memory_space<vmem>>
    %dma_start3A_85 = tpu.memref_squeeze %dma_start3A_84 : memref<1x128xi32, #tpu.memory_space<vmem>> -> memref<128xi32, #tpu.memory_space<vmem>>
    %dma_start3A_86 = arith.constant 0 : i32
    %dma_start3A_87 = arith.constant 0 : i32
    %dma_start3A_88 = tpu.memref_slice %arg4[%dma_start3A_86, %dma_start3A_87] : memref<5000x16xf32, #tpu.memory_space<hbm>> -> memref<5000x16xf32, #tpu.memory_space<hbm>>
    tpu.enqueue_indirect_dma source(%dma_start3A_88 : memref<5000x16xf32, #tpu.memory_space<hbm>>) target(%dma_start3A_82 : memref<128x16xf32, #tpu.memory_space<vmem>>) offsets(%dma_start3A_85 : memref<128xi32, #tpu.memory_space<vmem>>) semaphore(%arg16 : memref<!tpu.dma_semaphore, #tpu.memory_space<semaphore_mem>>)
    %dma_start3A_89 = arith.constant 2 : i32
    %dma_start3A_90 = arith.constant 256 : i32
    %dma_start3A_91 = arith.constant 0 : i32
    %dma_start3A_92 = tpu.memref_slice %arg11[%dma_start3A_90, %dma_start3A_91] : memref<512x16xf32, #tpu.memory_space<vmem>> -> memref<128x16xf32, #tpu.memory_space<vmem>>
    %dma_start3A_93 = arith.constant 0 : i32
    %dma_start3A_94 = tpu.memref_slice %arg8[%dma_start3A_89, %dma_start3A_93] : memref<4x128xi32, #tpu.memory_space<vmem>> -> memref<1x128xi32, #tpu.memory_space<vmem>>
    %dma_start3A_95 = tpu.memref_squeeze %dma_start3A_94 : memref<1x128xi32, #tpu.memory_space<vmem>> -> memref<128xi32, #tpu.memory_space<vmem>>
    %dma_start3A_96 = arith.constant 0 : i32
    %dma_start3A_97 = arith.constant 0 : i32
    %dma_start3A_98 = tpu.memref_slice %arg2[%dma_start3A_96, %dma_start3A_97] : memref<10000x16xf32, #tpu.memory_space<hbm>> -> memref<10000x16xf32, #tpu.memory_space<hbm>>
    tpu.enqueue_indirect_dma source(%dma_start3A_98 : memref<10000x16xf32, #tpu.memory_space<hbm>>) target(%dma_start3A_92 : memref<128x16xf32, #tpu.memory_space<vmem>>) offsets(%dma_start3A_95 : memref<128xi32, #tpu.memory_space<vmem>>) semaphore(%arg17 : memref<!tpu.dma_semaphore, #tpu.memory_space<semaphore_mem>>)
    %dma_start3A_99 = arith.constant 2 : i32
    %dma_start3A_100 = arith.constant 256 : i32
    %dma_start3A_101 = arith.constant 0 : i32
    %dma_start3A_102 = tpu.memref_slice %arg12[%dma_start3A_100, %dma_start3A_101] : memref<512x16xf32, #tpu.memory_space<vmem>> -> memref<128x16xf32, #tpu.memory_space<vmem>>
    %dma_start3A_103 = arith.constant 0 : i32
    %dma_start3A_104 = tpu.memref_slice %arg9[%dma_start3A_99, %dma_start3A_103] : memref<4x128xi32, #tpu.memory_space<vmem>> -> memref<1x128xi32, #tpu.memory_space<vmem>>
    %dma_start3A_105 = tpu.memref_squeeze %dma_start3A_104 : memref<1x128xi32, #tpu.memory_space<vmem>> -> memref<128xi32, #tpu.memory_space<vmem>>
    %dma_start3A_106 = arith.constant 0 : i32
    %dma_start3A_107 = arith.constant 0 : i32
    %dma_start3A_108 = tpu.memref_slice %arg3[%dma_start3A_106, %dma_start3A_107] : memref<5000x16xf32, #tpu.memory_space<hbm>> -> memref<5000x16xf32, #tpu.memory_space<hbm>>
    tpu.enqueue_indirect_dma source(%dma_start3A_108 : memref<5000x16xf32, #tpu.memory_space<hbm>>) target(%dma_start3A_102 : memref<128x16xf32, #tpu.memory_space<vmem>>) offsets(%dma_start3A_105 : memref<128xi32, #tpu.memory_space<vmem>>) semaphore(%arg17 : memref<!tpu.dma_semaphore, #tpu.memory_space<semaphore_mem>>)
    %dma_start3A_109 = arith.constant 2 : i32
    %dma_start3A_110 = arith.constant 256 : i32
    %dma_start3A_111 = arith.constant 0 : i32
    %dma_start3A_112 = tpu.memref_slice %arg13[%dma_start3A_110, %dma_start3A_111] : memref<512x16xf32, #tpu.memory_space<vmem>> -> memref<128x16xf32, #tpu.memory_space<vmem>>
    %dma_start3A_113 = arith.constant 0 : i32
    %dma_start3A_114 = tpu.memref_slice %arg10[%dma_start3A_109, %dma_start3A_113] : memref<4x128xi32, #tpu.memory_space<vmem>> -> memref<1x128xi32, #tpu.memory_space<vmem>>
    %dma_start3A_115 = tpu.memref_squeeze %dma_start3A_114 : memref<1x128xi32, #tpu.memory_space<vmem>> -> memref<128xi32, #tpu.memory_space<vmem>>
    %dma_start3A_116 = arith.constant 0 : i32
    %dma_start3A_117 = arith.constant 0 : i32
    %dma_start3A_118 = tpu.memref_slice %arg4[%dma_start3A_116, %dma_start3A_117] : memref<5000x16xf32, #tpu.memory_space<hbm>> -> memref<5000x16xf32, #tpu.memory_space<hbm>>
    tpu.enqueue_indirect_dma source(%dma_start3A_118 : memref<5000x16xf32, #tpu.memory_space<hbm>>) target(%dma_start3A_112 : memref<128x16xf32, #tpu.memory_space<vmem>>) offsets(%dma_start3A_115 : memref<128xi32, #tpu.memory_space<vmem>>) semaphore(%arg17 : memref<!tpu.dma_semaphore, #tpu.memory_space<semaphore_mem>>)
    %dma_start3A_119 = arith.constant 3 : i32
    %dma_start3A_120 = arith.constant 384 : i32
    %dma_start3A_121 = arith.constant 0 : i32
    %dma_start3A_122 = tpu.memref_slice %arg11[%dma_start3A_120, %dma_start3A_121] : memref<512x16xf32, #tpu.memory_space<vmem>> -> memref<128x16xf32, #tpu.memory_space<vmem>>
    %dma_start3A_123 = arith.constant 0 : i32
    %dma_start3A_124 = tpu.memref_slice %arg8[%dma_start3A_119, %dma_start3A_123] : memref<4x128xi32, #tpu.memory_space<vmem>> -> memref<1x128xi32, #tpu.memory_space<vmem>>
    %dma_start3A_125 = tpu.memref_squeeze %dma_start3A_124 : memref<1x128xi32, #tpu.memory_space<vmem>> -> memref<128xi32, #tpu.memory_space<vmem>>
    %dma_start3A_126 = arith.constant 0 : i32
    %dma_start3A_127 = arith.constant 0 : i32
    %dma_start3A_128 = tpu.memref_slice %arg2[%dma_start3A_126, %dma_start3A_127] : memref<10000x16xf32, #tpu.memory_space<hbm>> -> memref<10000x16xf32, #tpu.memory_space<hbm>>
    tpu.enqueue_indirect_dma source(%dma_start3A_128 : memref<10000x16xf32, #tpu.memory_space<hbm>>) target(%dma_start3A_122 : memref<128x16xf32, #tpu.memory_space<vmem>>) offsets(%dma_start3A_125 : memref<128xi32, #tpu.memory_space<vmem>>) semaphore(%arg18 : memref<!tpu.dma_semaphore, #tpu.memory_space<semaphore_mem>>)
    %dma_start3A_129 = arith.constant 3 : i32
    %dma_start3A_130 = arith.constant 384 : i32
    %dma_start3A_131 = arith.constant 0 : i32
    %dma_start3A_132 = tpu.memref_slice %arg12[%dma_start3A_130, %dma_start3A_131] : memref<512x16xf32, #tpu.memory_space<vmem>> -> memref<128x16xf32, #tpu.memory_space<vmem>>
    %dma_start3A_133 = arith.constant 0 : i32
    %dma_start3A_134 = tpu.memref_slice %arg9[%dma_start3A_129, %dma_start3A_133] : memref<4x128xi32, #tpu.memory_space<vmem>> -> memref<1x128xi32, #tpu.memory_space<vmem>>
    %dma_start3A_135 = tpu.memref_squeeze %dma_start3A_134 : memref<1x128xi32, #tpu.memory_space<vmem>> -> memref<128xi32, #tpu.memory_space<vmem>>
    %dma_start3A_136 = arith.constant 0 : i32
    %dma_start3A_137 = arith.constant 0 : i32
    %dma_start3A_138 = tpu.memref_slice %arg3[%dma_start3A_136, %dma_start3A_137] : memref<5000x16xf32, #tpu.memory_space<hbm>> -> memref<5000x16xf32, #tpu.memory_space<hbm>>
    tpu.enqueue_indirect_dma source(%dma_start3A_138 : memref<5000x16xf32, #tpu.memory_space<hbm>>) target(%dma_start3A_132 : memref<128x16xf32, #tpu.memory_space<vmem>>) offsets(%dma_start3A_135 : memref<128xi32, #tpu.memory_space<vmem>>) semaphore(%arg18 : memref<!tpu.dma_semaphore, #tpu.memory_space<semaphore_mem>>)
    %dma_start3A_139 = arith.constant 3 : i32
    %dma_start3A_140 = arith.constant 384 : i32
    %dma_start3A_141 = arith.constant 0 : i32
    %dma_start3A_142 = tpu.memref_slice %arg13[%dma_start3A_140, %dma_start3A_141] : memref<512x16xf32, #tpu.memory_space<vmem>> -> memref<128x16xf32, #tpu.memory_space<vmem>>
    %dma_start3A_143 = arith.constant 0 : i32
    %dma_start3A_144 = tpu.memref_slice %arg10[%dma_start3A_139, %dma_start3A_143] : memref<4x128xi32, #tpu.memory_space<vmem>> -> memref<1x128xi32, #tpu.memory_space<vmem>>
    %dma_start3A_145 = tpu.memref_squeeze %dma_start3A_144 : memref<1x128xi32, #tpu.memory_space<vmem>> -> memref<128xi32, #tpu.memory_space<vmem>>
    %dma_start3A_146 = arith.constant 0 : i32
    %dma_start3A_147 = arith.constant 0 : i32
    %dma_start3A_148 = tpu.memref_slice %arg4[%dma_start3A_146, %dma_start3A_147] : memref<5000x16xf32, #tpu.memory_space<hbm>> -> memref<5000x16xf32, #tpu.memory_space<hbm>>
    tpu.enqueue_indirect_dma source(%dma_start3A_148 : memref<5000x16xf32, #tpu.memory_space<hbm>>) target(%dma_start3A_142 : memref<128x16xf32, #tpu.memory_space<vmem>>) offsets(%dma_start3A_145 : memref<128xi32, #tpu.memory_space<vmem>>) semaphore(%arg18 : memref<!tpu.dma_semaphore, #tpu.memory_space<semaphore_mem>>)
    %iota3A = tpu.iota {dimensions = array<i32: 0>} : vector<16xi32>
    %dma_wait3A_149 = arith.constant 0 : i32
    %dma_wait3A_150 = arith.constant 0 : i32
    %dma_wait3A_151 = arith.constant 0 : i32
    %dma_wait3A_152 = tpu.memref_slice %arg11[%dma_wait3A_150, %dma_wait3A_151] : memref<512x16xf32, #tpu.memory_space<vmem>> -> memref<128x16xf32, #tpu.memory_space<vmem>>
    %dma_wait3A_153 = arith.constant 0 : i32
    %dma_wait3A_154 = tpu.memref_slice %arg8[%dma_wait3A_149, %dma_wait3A_153] : memref<4x128xi32, #tpu.memory_space<vmem>> -> memref<1x128xi32, #tpu.memory_space<vmem>>
    %dma_wait3A_155 = tpu.memref_squeeze %dma_wait3A_154 : memref<1x128xi32, #tpu.memory_space<vmem>> -> memref<128xi32, #tpu.memory_space<vmem>>
    %dma_wait3A_156 = arith.constant 0 : i32
    %dma_wait3A_157 = arith.constant 0 : i32
    %dma_wait3A_158 = tpu.memref_slice %arg2[%dma_wait3A_156, %dma_wait3A_157] : memref<10000x16xf32, #tpu.memory_space<hbm>> -> memref<10000x16xf32, #tpu.memory_space<hbm>>
    tpu.wait_indirect_dma semaphore(%arg15 : memref<!tpu.dma_semaphore, #tpu.memory_space<semaphore_mem>>) src(%dma_wait3A_158 : memref<10000x16xf32, #tpu.memory_space<hbm>>) dst(%dma_wait3A_152 : memref<128x16xf32, #tpu.memory_space<vmem>>)
    %dma_wait3A_159 = arith.constant 0 : i32
    %dma_wait3A_160 = arith.constant 0 : i32
    %dma_wait3A_161 = arith.constant 0 : i32
    %dma_wait3A_162 = tpu.memref_slice %arg12[%dma_wait3A_160, %dma_wait3A_161] : memref<512x16xf32, #tpu.memory_space<vmem>> -> memref<128x16xf32, #tpu.memory_space<vmem>>
    %dma_wait3A_163 = arith.constant 0 : i32
    %dma_wait3A_164 = tpu.memref_slice %arg9[%dma_wait3A_159, %dma_wait3A_163] : memref<4x128xi32, #tpu.memory_space<vmem>> -> memref<1x128xi32, #tpu.memory_space<vmem>>
    %dma_wait3A_165 = tpu.memref_squeeze %dma_wait3A_164 : memref<1x128xi32, #tpu.memory_space<vmem>> -> memref<128xi32, #tpu.memory_space<vmem>>
    %dma_wait3A_166 = arith.constant 0 : i32
    %dma_wait3A_167 = arith.constant 0 : i32
    %dma_wait3A_168 = tpu.memref_slice %arg3[%dma_wait3A_166, %dma_wait3A_167] : memref<5000x16xf32, #tpu.memory_space<hbm>> -> memref<5000x16xf32, #tpu.memory_space<hbm>>
    tpu.wait_indirect_dma semaphore(%arg15 : memref<!tpu.dma_semaphore, #tpu.memory_space<semaphore_mem>>) src(%dma_wait3A_168 : memref<5000x16xf32, #tpu.memory_space<hbm>>) dst(%dma_wait3A_162 : memref<128x16xf32, #tpu.memory_space<vmem>>)
    %dma_wait3A_169 = arith.constant 0 : i32
    %dma_wait3A_170 = arith.constant 0 : i32
    %dma_wait3A_171 = arith.constant 0 : i32
    %dma_wait3A_172 = tpu.memref_slice %arg13[%dma_wait3A_170, %dma_wait3A_171] : memref<512x16xf32, #tpu.memory_space<vmem>> -> memref<128x16xf32, #tpu.memory_space<vmem>>
    %dma_wait3A_173 = arith.constant 0 : i32
    %dma_wait3A_174 = tpu.memref_slice %arg10[%dma_wait3A_169, %dma_wait3A_173] : memref<4x128xi32, #tpu.memory_space<vmem>> -> memref<1x128xi32, #tpu.memory_space<vmem>>
    %dma_wait3A_175 = tpu.memref_squeeze %dma_wait3A_174 : memref<1x128xi32, #tpu.memory_space<vmem>> -> memref<128xi32, #tpu.memory_space<vmem>>
    %dma_wait3A_176 = arith.constant 0 : i32
    %dma_wait3A_177 = arith.constant 0 : i32
    %dma_wait3A_178 = tpu.memref_slice %arg4[%dma_wait3A_176, %dma_wait3A_177] : memref<5000x16xf32, #tpu.memory_space<hbm>> -> memref<5000x16xf32, #tpu.memory_space<hbm>>
    tpu.wait_indirect_dma semaphore(%arg15 : memref<!tpu.dma_semaphore, #tpu.memory_space<semaphore_mem>>) src(%dma_wait3A_178 : memref<5000x16xf32, #tpu.memory_space<hbm>>) dst(%dma_wait3A_172 : memref<128x16xf32, #tpu.memory_space<vmem>>)
    %scan3A = arith.constant 0 : i32
    %scan3A_179 = arith.constant 0 : i32
    %scan3A_180 = arith.constant 32 : i32
    %scan3A_181 = arith.addi %scan3A_179, %scan3A_180 : i32
    %scan3A_182 = arith.constant 1 : i32
    scf.for %scan3A_294 = %scan3A_179 to %scan3A_181 step %scan3A_182  : i32 {
      %mul3A_295 = arith.constant 4 : i32
      %mul3A_296 = arith.muli %scan3A_294, %mul3A_295 : i32
      %add3A_297 = arith.constant 0 : i32
      %add3A_298 = arith.addi %mul3A_296, %add3A_297 : i32
      %get3A = arith.index_cast %add3A_298 : i32 to index
      %get3A_299 = arith.constant 0 : index
      %get3A_300 = tpu.vector_load %arg11[%get3A, %get3A_299] {strides = array<i32>} : memref<512x16xf32, #tpu.memory_space<vmem>>, vector<16xf32>,
      %get3A_301 = arith.index_cast %add3A_298 : i32 to index
      %get3A_302 = arith.constant 0 : index
      %get3A_303 = tpu.vector_load %arg12[%get3A_301, %get3A_302] {strides = array<i32>} : memref<512x16xf32, #tpu.memory_space<vmem>>, vector<16xf32>,
      %add3A_304 = arith.addf %get3A_300, %get3A_303 : vector<16xf32>
      %get3A_305 = arith.index_cast %add3A_298 : i32 to index
      %get3A_306 = arith.constant 0 : index
      %get3A_307 = tpu.vector_load %arg13[%get3A_305, %get3A_306] {strides = array<i32>} : memref<512x16xf32, #tpu.memory_space<vmem>>, vector<16xf32>,
      %add3A_308 = arith.addf %add3A_304, %get3A_307 : vector<16xf32>
      %broadcast_in_dim3A = vector.broadcast %add3A_298 : i32 to vector<16xi32>
      tpu.vector_store_idx %arg14[%iota3A, %broadcast_in_dim3A], %add3A_308 : memref<16x513xf32, #tpu.memory_space<vmem>>[vector<16xi32>, vector<16xi32>], vector<16xf32>,
      %mul3A_309 = arith.constant 4 : i32
      %mul3A_310 = arith.muli %scan3A_294, %mul3A_309 : i32
      %add3A_311 = arith.constant 1 : i32
      %add3A_312 = arith.addi %mul3A_310, %add3A_311 : i32
      %get3A_313 = arith.index_cast %add3A_312 : i32 to index
      %get3A_314 = arith.constant 0 : index
      %get3A_315 = tpu.vector_load %arg11[%get3A_313, %get3A_314] {strides = array<i32>} : memref<512x16xf32, #tpu.memory_space<vmem>>, vector<16xf32>,
      %get3A_316 = arith.index_cast %add3A_312 : i32 to index
      %get3A_317 = arith.constant 0 : index
      %get3A_318 = tpu.vector_load %arg12[%get3A_316, %get3A_317] {strides = array<i32>} : memref<512x16xf32, #tpu.memory_space<vmem>>, vector<16xf32>,
      %add3A_319 = arith.addf %get3A_315, %get3A_318 : vector<16xf32>
      %get3A_320 = arith.index_cast %add3A_312 : i32 to index
      %get3A_321 = arith.constant 0 : index
      %get3A_322 = tpu.vector_load %arg13[%get3A_320, %get3A_321] {strides = array<i32>} : memref<512x16xf32, #tpu.memory_space<vmem>>, vector<16xf32>,
      %add3A_323 = arith.addf %add3A_319, %get3A_322 : vector<16xf32>
      %broadcast_in_dim3A_324 = vector.broadcast %add3A_312 : i32 to vector<16xi32>
      tpu.vector_store_idx %arg14[%iota3A, %broadcast_in_dim3A_324], %add3A_323 : memref<16x513xf32, #tpu.memory_space<vmem>>[vector<16xi32>, vector<16xi32>], vector<16xf32>,
      %mul3A_325 = arith.constant 4 : i32
      %mul3A_326 = arith.muli %scan3A_294, %mul3A_325 : i32
      %add3A_327 = arith.constant 2 : i32
      %add3A_328 = arith.addi %mul3A_326, %add3A_327 : i32
      %get3A_329 = arith.index_cast %add3A_328 : i32 to index
      %get3A_330 = arith.constant 0 : index
      %get3A_331 = tpu.vector_load %arg11[%get3A_329, %get3A_330] {strides = array<i32>} : memref<512x16xf32, #tpu.memory_space<vmem>>, vector<16xf32>,
      %get3A_332 = arith.index_cast %add3A_328 : i32 to index
      %get3A_333 = arith.constant 0 : index
      %get3A_334 = tpu.vector_load %arg12[%get3A_332, %get3A_333] {strides = array<i32>} : memref<512x16xf32, #tpu.memory_space<vmem>>, vector<16xf32>,
      %add3A_335 = arith.addf %get3A_331, %get3A_334 : vector<16xf32>
      %get3A_336 = arith.index_cast %add3A_328 : i32 to index
      %get3A_337 = arith.constant 0 : index
      %get3A_338 = tpu.vector_load %arg13[%get3A_336, %get3A_337] {strides = array<i32>} : memref<512x16xf32, #tpu.memory_space<vmem>>, vector<16xf32>,
      %add3A_339 = arith.addf %add3A_335, %get3A_338 : vector<16xf32>
      %broadcast_in_dim3A_340 = vector.broadcast %add3A_328 : i32 to vector<16xi32>
      tpu.vector_store_idx %arg14[%iota3A, %broadcast_in_dim3A_340], %add3A_339 : memref<16x513xf32, #tpu.memory_space<vmem>>[vector<16xi32>, vector<16xi32>], vector<16xf32>,
      %mul3A_341 = arith.constant 4 : i32
      %mul3A_342 = arith.muli %scan3A_294, %mul3A_341 : i32
      %add3A_343 = arith.constant 3 : i32
      %add3A_344 = arith.addi %mul3A_342, %add3A_343 : i32
      %get3A_345 = arith.index_cast %add3A_344 : i32 to index
      %get3A_346 = arith.constant 0 : index
      %get3A_347 = tpu.vector_load %arg11[%get3A_345, %get3A_346] {strides = array<i32>} : memref<512x16xf32, #tpu.memory_space<vmem>>, vector<16xf32>,
      %get3A_348 = arith.index_cast %add3A_344 : i32 to index
      %get3A_349 = arith.constant 0 : index
      %get3A_350 = tpu.vector_load %arg12[%get3A_348, %get3A_349] {strides = array<i32>} : memref<512x16xf32, #tpu.memory_space<vmem>>, vector<16xf32>,
      %add3A_351 = arith.addf %get3A_347, %get3A_350 : vector<16xf32>
      %get3A_352 = arith.index_cast %add3A_344 : i32 to index
      %get3A_353 = arith.constant 0 : index
      %get3A_354 = tpu.vector_load %arg13[%get3A_352, %get3A_353] {strides = array<i32>} : memref<512x16xf32, #tpu.memory_space<vmem>>, vector<16xf32>,
      %add3A_355 = arith.addf %add3A_351, %get3A_354 : vector<16xf32>
      %broadcast_in_dim3A_356 = vector.broadcast %add3A_344 : i32 to vector<16xi32>
      tpu.vector_store_idx %arg14[%iota3A, %broadcast_in_dim3A_356], %add3A_355 : memref<16x513xf32, #tpu.memory_space<vmem>>[vector<16xi32>, vector<16xi32>], vector<16xf32>,
    }
    %scan3A_183 = arith.constant 32 : i32
    %dma_wait3A_184 = arith.constant 1 : i32
    %dma_wait3A_185 = arith.constant 128 : i32
    %dma_wait3A_186 = arith.constant 0 : i32
    %dma_wait3A_187 = tpu.memref_slice %arg11[%dma_wait3A_185, %dma_wait3A_186] : memref<512x16xf32, #tpu.memory_space<vmem>> -> memref<128x16xf32, #tpu.memory_space<vmem>>
    %dma_wait3A_188 = arith.constant 0 : i32
    %dma_wait3A_189 = tpu.memref_slice %arg8[%dma_wait3A_184, %dma_wait3A_188] : memref<4x128xi32, #tpu.memory_space<vmem>> -> memref<1x128xi32, #tpu.memory_space<vmem>>
    %dma_wait3A_190 = tpu.memref_squeeze %dma_wait3A_189 : memref<1x128xi32, #tpu.memory_space<vmem>> -> memref<128xi32, #tpu.memory_space<vmem>>
    %dma_wait3A_191 = arith.constant 0 : i32
    %dma_wait3A_192 = arith.constant 0 : i32
    %dma_wait3A_193 = tpu.memref_slice %arg2[%dma_wait3A_191, %dma_wait3A_192] : memref<10000x16xf32, #tpu.memory_space<hbm>> -> memref<10000x16xf32, #tpu.memory_space<hbm>>
    tpu.wait_indirect_dma semaphore(%arg16 : memref<!tpu.dma_semaphore, #tpu.memory_space<semaphore_mem>>) src(%dma_wait3A_193 : memref<10000x16xf32, #tpu.memory_space<hbm>>) dst(%dma_wait3A_187 : memref<128x16xf32, #tpu.memory_space<vmem>>)
    %dma_wait3A_194 = arith.constant 1 : i32
    %dma_wait3A_195 = arith.constant 128 : i32
    %dma_wait3A_196 = arith.constant 0 : i32
    %dma_wait3A_197 = tpu.memref_slice %arg12[%dma_wait3A_195, %dma_wait3A_196] : memref<512x16xf32, #tpu.memory_space<vmem>> -> memref<128x16xf32, #tpu.memory_space<vmem>>
    %dma_wait3A_198 = arith.constant 0 : i32
    %dma_wait3A_199 = tpu.memref_slice %arg9[%dma_wait3A_194, %dma_wait3A_198] : memref<4x128xi32, #tpu.memory_space<vmem>> -> memref<1x128xi32, #tpu.memory_space<vmem>>
    %dma_wait3A_200 = tpu.memref_squeeze %dma_wait3A_199 : memref<1x128xi32, #tpu.memory_space<vmem>> -> memref<128xi32, #tpu.memory_space<vmem>>
    %dma_wait3A_201 = arith.constant 0 : i32
    %dma_wait3A_202 = arith.constant 0 : i32
    %dma_wait3A_203 = tpu.memref_slice %arg3[%dma_wait3A_201, %dma_wait3A_202] : memref<5000x16xf32, #tpu.memory_space<hbm>> -> memref<5000x16xf32, #tpu.memory_space<hbm>>
    tpu.wait_indirect_dma semaphore(%arg16 : memref<!tpu.dma_semaphore, #tpu.memory_space<semaphore_mem>>) src(%dma_wait3A_203 : memref<5000x16xf32, #tpu.memory_space<hbm>>) dst(%dma_wait3A_197 : memref<128x16xf32, #tpu.memory_space<vmem>>)
    %dma_wait3A_204 = arith.constant 1 : i32
    %dma_wait3A_205 = arith.constant 128 : i32
    %dma_wait3A_206 = arith.constant 0 : i32
    %dma_wait3A_207 = tpu.memref_slice %arg13[%dma_wait3A_205, %dma_wait3A_206] : memref<512x16xf32, #tpu.memory_space<vmem>> -> memref<128x16xf32, #tpu.memory_space<vmem>>
    %dma_wait3A_208 = arith.constant 0 : i32
    %dma_wait3A_209 = tpu.memref_slice %arg10[%dma_wait3A_204, %dma_wait3A_208] : memref<4x128xi32, #tpu.memory_space<vmem>> -> memref<1x128xi32, #tpu.memory_space<vmem>>
    %dma_wait3A_210 = tpu.memref_squeeze %dma_wait3A_209 : memref<1x128xi32, #tpu.memory_space<vmem>> -> memref<128xi32, #tpu.memory_space<vmem>>
    %dma_wait3A_211 = arith.constant 0 : i32
    %dma_wait3A_212 = arith.constant 0 : i32
    %dma_wait3A_213 = tpu.memref_slice %arg4[%dma_wait3A_211, %dma_wait3A_212] : memref<5000x16xf32, #tpu.memory_space<hbm>> -> memref<5000x16xf32, #tpu.memory_space<hbm>>
    tpu.wait_indirect_dma semaphore(%arg16 : memref<!tpu.dma_semaphore, #tpu.memory_space<semaphore_mem>>) src(%dma_wait3A_213 : memref<5000x16xf32, #tpu.memory_space<hbm>>) dst(%dma_wait3A_207 : memref<128x16xf32, #tpu.memory_space<vmem>>)
    %scan3A_214 = arith.constant 0 : i32
    %scan3A_215 = arith.constant 32 : i32
    %scan3A_216 = arith.constant 32 : i32
    %scan3A_217 = arith.addi %scan3A_215, %scan3A_216 : i32
    %scan3A_218 = arith.constant 1 : i32
    scf.for %scan3A_294 = %scan3A_215 to %scan3A_217 step %scan3A_218  : i32 {
      %mul3A_295 = arith.constant 4 : i32
      %mul3A_296 = arith.muli %scan3A_294, %mul3A_295 : i32
      %add3A_297 = arith.constant 0 : i32
      %add3A_298 = arith.addi %mul3A_296, %add3A_297 : i32
      %get3A = arith.index_cast %add3A_298 : i32 to index
      %get3A_299 = arith.constant 0 : index
      %get3A_300 = tpu.vector_load %arg11[%get3A, %get3A_299] {strides = array<i32>} : memref<512x16xf32, #tpu.memory_space<vmem>>, vector<16xf32>,
      %get3A_301 = arith.index_cast %add3A_298 : i32 to index
      %get3A_302 = arith.constant 0 : index
      %get3A_303 = tpu.vector_load %arg12[%get3A_301, %get3A_302] {strides = array<i32>} : memref<512x16xf32, #tpu.memory_space<vmem>>, vector<16xf32>,
      %add3A_304 = arith.addf %get3A_300, %get3A_303 : vector<16xf32>
      %get3A_305 = arith.index_cast %add3A_298 : i32 to index
      %get3A_306 = arith.constant 0 : index
      %get3A_307 = tpu.vector_load %arg13[%get3A_305, %get3A_306] {strides = array<i32>} : memref<512x16xf32, #tpu.memory_space<vmem>>, vector<16xf32>,
      %add3A_308 = arith.addf %add3A_304, %get3A_307 : vector<16xf32>
      %broadcast_in_dim3A = vector.broadcast %add3A_298 : i32 to vector<16xi32>
      tpu.vector_store_idx %arg14[%iota3A, %broadcast_in_dim3A], %add3A_308 : memref<16x513xf32, #tpu.memory_space<vmem>>[vector<16xi32>, vector<16xi32>], vector<16xf32>,
      %mul3A_309 = arith.constant 4 : i32
      %mul3A_310 = arith.muli %scan3A_294, %mul3A_309 : i32
      %add3A_311 = arith.constant 1 : i32
      %add3A_312 = arith.addi %mul3A_310, %add3A_311 : i32
      %get3A_313 = arith.index_cast %add3A_312 : i32 to index
      %get3A_314 = arith.constant 0 : index
      %get3A_315 = tpu.vector_load %arg11[%get3A_313, %get3A_314] {strides = array<i32>} : memref<512x16xf32, #tpu.memory_space<vmem>>, vector<16xf32>,
      %get3A_316 = arith.index_cast %add3A_312 : i32 to index
      %get3A_317 = arith.constant 0 : index
      %get3A_318 = tpu.vector_load %arg12[%get3A_316, %get3A_317] {strides = array<i32>} : memref<512x16xf32, #tpu.memory_space<vmem>>, vector<16xf32>,
      %add3A_319 = arith.addf %get3A_315, %get3A_318 : vector<16xf32>
      %get3A_320 = arith.index_cast %add3A_312 : i32 to index
      %get3A_321 = arith.constant 0 : index
      %get3A_322 = tpu.vector_load %arg13[%get3A_320, %get3A_321] {strides = array<i32>} : memref<512x16xf32, #tpu.memory_space<vmem>>, vector<16xf32>,
      %add3A_323 = arith.addf %add3A_319, %get3A_322 : vector<16xf32>
      %broadcast_in_dim3A_324 = vector.broadcast %add3A_312 : i32 to vector<16xi32>
      tpu.vector_store_idx %arg14[%iota3A, %broadcast_in_dim3A_324], %add3A_323 : memref<16x513xf32, #tpu.memory_space<vmem>>[vector<16xi32>, vector<16xi32>], vector<16xf32>,
      %mul3A_325 = arith.constant 4 : i32
      %mul3A_326 = arith.muli %scan3A_294, %mul3A_325 : i32
      %add3A_327 = arith.constant 2 : i32
      %add3A_328 = arith.addi %mul3A_326, %add3A_327 : i32
      %get3A_329 = arith.index_cast %add3A_328 : i32 to index
      %get3A_330 = arith.constant 0 : index
      %get3A_331 = tpu.vector_load %arg11[%get3A_329, %get3A_330] {strides = array<i32>} : memref<512x16xf32, #tpu.memory_space<vmem>>, vector<16xf32>,
      %get3A_332 = arith.index_cast %add3A_328 : i32 to index
      %get3A_333 = arith.constant 0 : index
      %get3A_334 = tpu.vector_load %arg12[%get3A_332, %get3A_333] {strides = array<i32>} : memref<512x16xf32, #tpu.memory_space<vmem>>, vector<16xf32>,
      %add3A_335 = arith.addf %get3A_331, %get3A_334 : vector<16xf32>
      %get3A_336 = arith.index_cast %add3A_328 : i32 to index
      %get3A_337 = arith.constant 0 : index
      %get3A_338 = tpu.vector_load %arg13[%get3A_336, %get3A_337] {strides = array<i32>} : memref<512x16xf32, #tpu.memory_space<vmem>>, vector<16xf32>,
      %add3A_339 = arith.addf %add3A_335, %get3A_338 : vector<16xf32>
      %broadcast_in_dim3A_340 = vector.broadcast %add3A_328 : i32 to vector<16xi32>
      tpu.vector_store_idx %arg14[%iota3A, %broadcast_in_dim3A_340], %add3A_339 : memref<16x513xf32, #tpu.memory_space<vmem>>[vector<16xi32>, vector<16xi32>], vector<16xf32>,
      %mul3A_341 = arith.constant 4 : i32
      %mul3A_342 = arith.muli %scan3A_294, %mul3A_341 : i32
      %add3A_343 = arith.constant 3 : i32
      %add3A_344 = arith.addi %mul3A_342, %add3A_343 : i32
      %get3A_345 = arith.index_cast %add3A_344 : i32 to index
      %get3A_346 = arith.constant 0 : index
      %get3A_347 = tpu.vector_load %arg11[%get3A_345, %get3A_346] {strides = array<i32>} : memref<512x16xf32, #tpu.memory_space<vmem>>, vector<16xf32>,
      %get3A_348 = arith.index_cast %add3A_344 : i32 to index
      %get3A_349 = arith.constant 0 : index
      %get3A_350 = tpu.vector_load %arg12[%get3A_348, %get3A_349] {strides = array<i32>} : memref<512x16xf32, #tpu.memory_space<vmem>>, vector<16xf32>,
      %add3A_351 = arith.addf %get3A_347, %get3A_350 : vector<16xf32>
      %get3A_352 = arith.index_cast %add3A_344 : i32 to index
      %get3A_353 = arith.constant 0 : index
      %get3A_354 = tpu.vector_load %arg13[%get3A_352, %get3A_353] {strides = array<i32>} : memref<512x16xf32, #tpu.memory_space<vmem>>, vector<16xf32>,
      %add3A_355 = arith.addf %add3A_351, %get3A_354 : vector<16xf32>
      %broadcast_in_dim3A_356 = vector.broadcast %add3A_344 : i32 to vector<16xi32>
      tpu.vector_store_idx %arg14[%iota3A, %broadcast_in_dim3A_356], %add3A_355 : memref<16x513xf32, #tpu.memory_space<vmem>>[vector<16xi32>, vector<16xi32>], vector<16xf32>,
    }
    %scan3A_219 = arith.constant 32 : i32
    %dma_wait3A_220 = arith.constant 2 : i32
    %dma_wait3A_221 = arith.constant 256 : i32
    %dma_wait3A_222 = arith.constant 0 : i32
    %dma_wait3A_223 = tpu.memref_slice %arg11[%dma_wait3A_221, %dma_wait3A_222] : memref<512x16xf32, #tpu.memory_space<vmem>> -> memref<128x16xf32, #tpu.memory_space<vmem>>
    %dma_wait3A_224 = arith.constant 0 : i32
    %dma_wait3A_225 = tpu.memref_slice %arg8[%dma_wait3A_220, %dma_wait3A_224] : memref<4x128xi32, #tpu.memory_space<vmem>> -> memref<1x128xi32, #tpu.memory_space<vmem>>
    %dma_wait3A_226 = tpu.memref_squeeze %dma_wait3A_225 : memref<1x128xi32, #tpu.memory_space<vmem>> -> memref<128xi32, #tpu.memory_space<vmem>>
    %dma_wait3A_227 = arith.constant 0 : i32
    %dma_wait3A_228 = arith.constant 0 : i32
    %dma_wait3A_229 = tpu.memref_slice %arg2[%dma_wait3A_227, %dma_wait3A_228] : memref<10000x16xf32, #tpu.memory_space<hbm>> -> memref<10000x16xf32, #tpu.memory_space<hbm>>
    tpu.wait_indirect_dma semaphore(%arg17 : memref<!tpu.dma_semaphore, #tpu.memory_space<semaphore_mem>>) src(%dma_wait3A_229 : memref<10000x16xf32, #tpu.memory_space<hbm>>) dst(%dma_wait3A_223 : memref<128x16xf32, #tpu.memory_space<vmem>>)
    %dma_wait3A_230 = arith.constant 2 : i32
    %dma_wait3A_231 = arith.constant 256 : i32
    %dma_wait3A_232 = arith.constant 0 : i32
    %dma_wait3A_233 = tpu.memref_slice %arg12[%dma_wait3A_231, %dma_wait3A_232] : memref<512x16xf32, #tpu.memory_space<vmem>> -> memref<128x16xf32, #tpu.memory_space<vmem>>
    %dma_wait3A_234 = arith.constant 0 : i32
    %dma_wait3A_235 = tpu.memref_slice %arg9[%dma_wait3A_230, %dma_wait3A_234] : memref<4x128xi32, #tpu.memory_space<vmem>> -> memref<1x128xi32, #tpu.memory_space<vmem>>
    %dma_wait3A_236 = tpu.memref_squeeze %dma_wait3A_235 : memref<1x128xi32, #tpu.memory_space<vmem>> -> memref<128xi32, #tpu.memory_space<vmem>>
    %dma_wait3A_237 = arith.constant 0 : i32
    %dma_wait3A_238 = arith.constant 0 : i32
    %dma_wait3A_239 = tpu.memref_slice %arg3[%dma_wait3A_237, %dma_wait3A_238] : memref<5000x16xf32, #tpu.memory_space<hbm>> -> memref<5000x16xf32, #tpu.memory_space<hbm>>
    tpu.wait_indirect_dma semaphore(%arg17 : memref<!tpu.dma_semaphore, #tpu.memory_space<semaphore_mem>>) src(%dma_wait3A_239 : memref<5000x16xf32, #tpu.memory_space<hbm>>) dst(%dma_wait3A_233 : memref<128x16xf32, #tpu.memory_space<vmem>>)
    %dma_wait3A_240 = arith.constant 2 : i32
    %dma_wait3A_241 = arith.constant 256 : i32
    %dma_wait3A_242 = arith.constant 0 : i32
    %dma_wait3A_243 = tpu.memref_slice %arg13[%dma_wait3A_241, %dma_wait3A_242] : memref<512x16xf32, #tpu.memory_space<vmem>> -> memref<128x16xf32, #tpu.memory_space<vmem>>
    %dma_wait3A_244 = arith.constant 0 : i32
    %dma_wait3A_245 = tpu.memref_slice %arg10[%dma_wait3A_240, %dma_wait3A_244] : memref<4x128xi32, #tpu.memory_space<vmem>> -> memref<1x128xi32, #tpu.memory_space<vmem>>
    %dma_wait3A_246 = tpu.memref_squeeze %dma_wait3A_245 : memref<1x128xi32, #tpu.memory_space<vmem>> -> memref<128xi32, #tpu.memory_space<vmem>>
    %dma_wait3A_247 = arith.constant 0 : i32
    %dma_wait3A_248 = arith.constant 0 : i32
    %dma_wait3A_249 = tpu.memref_slice %arg4[%dma_wait3A_247, %dma_wait3A_248] : memref<5000x16xf32, #tpu.memory_space<hbm>> -> memref<5000x16xf32, #tpu.memory_space<hbm>>
    tpu.wait_indirect_dma semaphore(%arg17 : memref<!tpu.dma_semaphore, #tpu.memory_space<semaphore_mem>>) src(%dma_wait3A_249 : memref<5000x16xf32, #tpu.memory_space<hbm>>) dst(%dma_wait3A_243 : memref<128x16xf32, #tpu.memory_space<vmem>>)
    %scan3A_250 = arith.constant 0 : i32
    %scan3A_251 = arith.constant 64 : i32
    %scan3A_252 = arith.constant 32 : i32
    %scan3A_253 = arith.addi %scan3A_251, %scan3A_252 : i32
    %scan3A_254 = arith.constant 1 : i32
    scf.for %scan3A_294 = %scan3A_251 to %scan3A_253 step %scan3A_254  : i32 {
      %mul3A_295 = arith.constant 4 : i32
      %mul3A_296 = arith.muli %scan3A_294, %mul3A_295 : i32
      %add3A_297 = arith.constant 0 : i32
      %add3A_298 = arith.addi %mul3A_296, %add3A_297 : i32
      %get3A = arith.index_cast %add3A_298 : i32 to index
      %get3A_299 = arith.constant 0 : index
      %get3A_300 = tpu.vector_load %arg11[%get3A, %get3A_299] {strides = array<i32>} : memref<512x16xf32, #tpu.memory_space<vmem>>, vector<16xf32>,
      %get3A_301 = arith.index_cast %add3A_298 : i32 to index
      %get3A_302 = arith.constant 0 : index
      %get3A_303 = tpu.vector_load %arg12[%get3A_301, %get3A_302] {strides = array<i32>} : memref<512x16xf32, #tpu.memory_space<vmem>>, vector<16xf32>,
      %add3A_304 = arith.addf %get3A_300, %get3A_303 : vector<16xf32>
      %get3A_305 = arith.index_cast %add3A_298 : i32 to index
      %get3A_306 = arith.constant 0 : index
      %get3A_307 = tpu.vector_load %arg13[%get3A_305, %get3A_306] {strides = array<i32>} : memref<512x16xf32, #tpu.memory_space<vmem>>, vector<16xf32>,
      %add3A_308 = arith.addf %add3A_304, %get3A_307 : vector<16xf32>
      %broadcast_in_dim3A = vector.broadcast %add3A_298 : i32 to vector<16xi32>
      tpu.vector_store_idx %arg14[%iota3A, %broadcast_in_dim3A], %add3A_308 : memref<16x513xf32, #tpu.memory_space<vmem>>[vector<16xi32>, vector<16xi32>], vector<16xf32>,
      %mul3A_309 = arith.constant 4 : i32
      %mul3A_310 = arith.muli %scan3A_294, %mul3A_309 : i32
      %add3A_311 = arith.constant 1 : i32
      %add3A_312 = arith.addi %mul3A_310, %add3A_311 : i32
      %get3A_313 = arith.index_cast %add3A_312 : i32 to index
      %get3A_314 = arith.constant 0 : index
      %get3A_315 = tpu.vector_load %arg11[%get3A_313, %get3A_314] {strides = array<i32>} : memref<512x16xf32, #tpu.memory_space<vmem>>, vector<16xf32>,
      %get3A_316 = arith.index_cast %add3A_312 : i32 to index
      %get3A_317 = arith.constant 0 : index
      %get3A_318 = tpu.vector_load %arg12[%get3A_316, %get3A_317] {strides = array<i32>} : memref<512x16xf32, #tpu.memory_space<vmem>>, vector<16xf32>,
      %add3A_319 = arith.addf %get3A_315, %get3A_318 : vector<16xf32>
      %get3A_320 = arith.index_cast %add3A_312 : i32 to index
      %get3A_321 = arith.constant 0 : index
      %get3A_322 = tpu.vector_load %arg13[%get3A_320, %get3A_321] {strides = array<i32>} : memref<512x16xf32, #tpu.memory_space<vmem>>, vector<16xf32>,
      %add3A_323 = arith.addf %add3A_319, %get3A_322 : vector<16xf32>
      %broadcast_in_dim3A_324 = vector.broadcast %add3A_312 : i32 to vector<16xi32>
      tpu.vector_store_idx %arg14[%iota3A, %broadcast_in_dim3A_324], %add3A_323 : memref<16x513xf32, #tpu.memory_space<vmem>>[vector<16xi32>, vector<16xi32>], vector<16xf32>,
      %mul3A_325 = arith.constant 4 : i32
      %mul3A_326 = arith.muli %scan3A_294, %mul3A_325 : i32
      %add3A_327 = arith.constant 2 : i32
      %add3A_328 = arith.addi %mul3A_326, %add3A_327 : i32
      %get3A_329 = arith.index_cast %add3A_328 : i32 to index
      %get3A_330 = arith.constant 0 : index
      %get3A_331 = tpu.vector_load %arg11[%get3A_329, %get3A_330] {strides = array<i32>} : memref<512x16xf32, #tpu.memory_space<vmem>>, vector<16xf32>,
      %get3A_332 = arith.index_cast %add3A_328 : i32 to index
      %get3A_333 = arith.constant 0 : index
      %get3A_334 = tpu.vector_load %arg12[%get3A_332, %get3A_333] {strides = array<i32>} : memref<512x16xf32, #tpu.memory_space<vmem>>, vector<16xf32>,
      %add3A_335 = arith.addf %get3A_331, %get3A_334 : vector<16xf32>
      %get3A_336 = arith.index_cast %add3A_328 : i32 to index
      %get3A_337 = arith.constant 0 : index
      %get3A_338 = tpu.vector_load %arg13[%get3A_336, %get3A_337] {strides = array<i32>} : memref<512x16xf32, #tpu.memory_space<vmem>>, vector<16xf32>,
      %add3A_339 = arith.addf %add3A_335, %get3A_338 : vector<16xf32>
      %broadcast_in_dim3A_340 = vector.broadcast %add3A_328 : i32 to vector<16xi32>
      tpu.vector_store_idx %arg14[%iota3A, %broadcast_in_dim3A_340], %add3A_339 : memref<16x513xf32, #tpu.memory_space<vmem>>[vector<16xi32>, vector<16xi32>], vector<16xf32>,
      %mul3A_341 = arith.constant 4 : i32
      %mul3A_342 = arith.muli %scan3A_294, %mul3A_341 : i32
      %add3A_343 = arith.constant 3 : i32
      %add3A_344 = arith.addi %mul3A_342, %add3A_343 : i32
      %get3A_345 = arith.index_cast %add3A_344 : i32 to index
      %get3A_346 = arith.constant 0 : index
      %get3A_347 = tpu.vector_load %arg11[%get3A_345, %get3A_346] {strides = array<i32>} : memref<512x16xf32, #tpu.memory_space<vmem>>, vector<16xf32>,
      %get3A_348 = arith.index_cast %add3A_344 : i32 to index
      %get3A_349 = arith.constant 0 : index
      %get3A_350 = tpu.vector_load %arg12[%get3A_348, %get3A_349] {strides = array<i32>} : memref<512x16xf32, #tpu.memory_space<vmem>>, vector<16xf32>,
      %add3A_351 = arith.addf %get3A_347, %get3A_350 : vector<16xf32>
      %get3A_352 = arith.index_cast %add3A_344 : i32 to index
      %get3A_353 = arith.constant 0 : index
      %get3A_354 = tpu.vector_load %arg13[%get3A_352, %get3A_353] {strides = array<i32>} : memref<512x16xf32, #tpu.memory_space<vmem>>, vector<16xf32>,
      %add3A_355 = arith.addf %add3A_351, %get3A_354 : vector<16xf32>
      %broadcast_in_dim3A_356 = vector.broadcast %add3A_344 : i32 to vector<16xi32>
      tpu.vector_store_idx %arg14[%iota3A, %broadcast_in_dim3A_356], %add3A_355 : memref<16x513xf32, #tpu.memory_space<vmem>>[vector<16xi32>, vector<16xi32>], vector<16xf32>,
    }
    %scan3A_255 = arith.constant 32 : i32
    %dma_wait3A_256 = arith.constant 3 : i32
    %dma_wait3A_257 = arith.constant 384 : i32
    %dma_wait3A_258 = arith.constant 0 : i32
    %dma_wait3A_259 = tpu.memref_slice %arg11[%dma_wait3A_257, %dma_wait3A_258] : memref<512x16xf32, #tpu.memory_space<vmem>> -> memref<128x16xf32, #tpu.memory_space<vmem>>
    %dma_wait3A_260 = arith.constant 0 : i32
    %dma_wait3A_261 = tpu.memref_slice %arg8[%dma_wait3A_256, %dma_wait3A_260] : memref<4x128xi32, #tpu.memory_space<vmem>> -> memref<1x128xi32, #tpu.memory_space<vmem>>
    %dma_wait3A_262 = tpu.memref_squeeze %dma_wait3A_261 : memref<1x128xi32, #tpu.memory_space<vmem>> -> memref<128xi32, #tpu.memory_space<vmem>>
    %dma_wait3A_263 = arith.constant 0 : i32
    %dma_wait3A_264 = arith.constant 0 : i32
    %dma_wait3A_265 = tpu.memref_slice %arg2[%dma_wait3A_263, %dma_wait3A_264] : memref<10000x16xf32, #tpu.memory_space<hbm>> -> memref<10000x16xf32, #tpu.memory_space<hbm>>
    tpu.wait_indirect_dma semaphore(%arg18 : memref<!tpu.dma_semaphore, #tpu.memory_space<semaphore_mem>>) src(%dma_wait3A_265 : memref<10000x16xf32, #tpu.memory_space<hbm>>) dst(%dma_wait3A_259 : memref<128x16xf32, #tpu.memory_space<vmem>>)
    %dma_wait3A_266 = arith.constant 3 : i32
    %dma_wait3A_267 = arith.constant 384 : i32
    %dma_wait3A_268 = arith.constant 0 : i32
    %dma_wait3A_269 = tpu.memref_slice %arg12[%dma_wait3A_267, %dma_wait3A_268] : memref<512x16xf32, #tpu.memory_space<vmem>> -> memref<128x16xf32, #tpu.memory_space<vmem>>
    %dma_wait3A_270 = arith.constant 0 : i32
    %dma_wait3A_271 = tpu.memref_slice %arg9[%dma_wait3A_266, %dma_wait3A_270] : memref<4x128xi32, #tpu.memory_space<vmem>> -> memref<1x128xi32, #tpu.memory_space<vmem>>
    %dma_wait3A_272 = tpu.memref_squeeze %dma_wait3A_271 : memref<1x128xi32, #tpu.memory_space<vmem>> -> memref<128xi32, #tpu.memory_space<vmem>>
    %dma_wait3A_273 = arith.constant 0 : i32
    %dma_wait3A_274 = arith.constant 0 : i32
    %dma_wait3A_275 = tpu.memref_slice %arg3[%dma_wait3A_273, %dma_wait3A_274] : memref<5000x16xf32, #tpu.memory_space<hbm>> -> memref<5000x16xf32, #tpu.memory_space<hbm>>
    tpu.wait_indirect_dma semaphore(%arg18 : memref<!tpu.dma_semaphore, #tpu.memory_space<semaphore_mem>>) src(%dma_wait3A_275 : memref<5000x16xf32, #tpu.memory_space<hbm>>) dst(%dma_wait3A_269 : memref<128x16xf32, #tpu.memory_space<vmem>>)
    %dma_wait3A_276 = arith.constant 3 : i32
    %dma_wait3A_277 = arith.constant 384 : i32
    %dma_wait3A_278 = arith.constant 0 : i32
    %dma_wait3A_279 = tpu.memref_slice %arg13[%dma_wait3A_277, %dma_wait3A_278] : memref<512x16xf32, #tpu.memory_space<vmem>> -> memref<128x16xf32, #tpu.memory_space<vmem>>
    %dma_wait3A_280 = arith.constant 0 : i32
    %dma_wait3A_281 = tpu.memref_slice %arg10[%dma_wait3A_276, %dma_wait3A_280] : memref<4x128xi32, #tpu.memory_space<vmem>> -> memref<1x128xi32, #tpu.memory_space<vmem>>
    %dma_wait3A_282 = tpu.memref_squeeze %dma_wait3A_281 : memref<1x128xi32, #tpu.memory_space<vmem>> -> memref<128xi32, #tpu.memory_space<vmem>>
    %dma_wait3A_283 = arith.constant 0 : i32
    %dma_wait3A_284 = arith.constant 0 : i32
    %dma_wait3A_285 = tpu.memref_slice %arg4[%dma_wait3A_283, %dma_wait3A_284] : memref<5000x16xf32, #tpu.memory_space<hbm>> -> memref<5000x16xf32, #tpu.memory_space<hbm>>
    tpu.wait_indirect_dma semaphore(%arg18 : memref<!tpu.dma_semaphore, #tpu.memory_space<semaphore_mem>>) src(%dma_wait3A_285 : memref<5000x16xf32, #tpu.memory_space<hbm>>) dst(%dma_wait3A_279 : memref<128x16xf32, #tpu.memory_space<vmem>>)
    %scan3A_286 = arith.constant 0 : i32
    %scan3A_287 = arith.constant 96 : i32
    %scan3A_288 = arith.constant 32 : i32
    %scan3A_289 = arith.addi %scan3A_287, %scan3A_288 : i32
    %scan3A_290 = arith.constant 1 : i32
    scf.for %scan3A_294 = %scan3A_287 to %scan3A_289 step %scan3A_290  : i32 {
      %mul3A_295 = arith.constant 4 : i32
      %mul3A_296 = arith.muli %scan3A_294, %mul3A_295 : i32
      %add3A_297 = arith.constant 0 : i32
      %add3A_298 = arith.addi %mul3A_296, %add3A_297 : i32
      %get3A = arith.index_cast %add3A_298 : i32 to index
      %get3A_299 = arith.constant 0 : index
      %get3A_300 = tpu.vector_load %arg11[%get3A, %get3A_299] {strides = array<i32>} : memref<512x16xf32, #tpu.memory_space<vmem>>, vector<16xf32>,
      %get3A_301 = arith.index_cast %add3A_298 : i32 to index
      %get3A_302 = arith.constant 0 : index
      %get3A_303 = tpu.vector_load %arg12[%get3A_301, %get3A_302] {strides = array<i32>} : memref<512x16xf32, #tpu.memory_space<vmem>>, vector<16xf32>,
      %add3A_304 = arith.addf %get3A_300, %get3A_303 : vector<16xf32>
      %get3A_305 = arith.index_cast %add3A_298 : i32 to index
      %get3A_306 = arith.constant 0 : index
      %get3A_307 = tpu.vector_load %arg13[%get3A_305, %get3A_306] {strides = array<i32>} : memref<512x16xf32, #tpu.memory_space<vmem>>, vector<16xf32>,
      %add3A_308 = arith.addf %add3A_304, %get3A_307 : vector<16xf32>
      %broadcast_in_dim3A = vector.broadcast %add3A_298 : i32 to vector<16xi32>
      tpu.vector_store_idx %arg14[%iota3A, %broadcast_in_dim3A], %add3A_308 : memref<16x513xf32, #tpu.memory_space<vmem>>[vector<16xi32>, vector<16xi32>], vector<16xf32>,
      %mul3A_309 = arith.constant 4 : i32
      %mul3A_310 = arith.muli %scan3A_294, %mul3A_309 : i32
      %add3A_311 = arith.constant 1 : i32
      %add3A_312 = arith.addi %mul3A_310, %add3A_311 : i32
      %get3A_313 = arith.index_cast %add3A_312 : i32 to index
      %get3A_314 = arith.constant 0 : index
      %get3A_315 = tpu.vector_load %arg11[%get3A_313, %get3A_314] {strides = array<i32>} : memref<512x16xf32, #tpu.memory_space<vmem>>, vector<16xf32>,
      %get3A_316 = arith.index_cast %add3A_312 : i32 to index
      %get3A_317 = arith.constant 0 : index
      %get3A_318 = tpu.vector_load %arg12[%get3A_316, %get3A_317] {strides = array<i32>} : memref<512x16xf32, #tpu.memory_space<vmem>>, vector<16xf32>,
      %add3A_319 = arith.addf %get3A_315, %get3A_318 : vector<16xf32>
      %get3A_320 = arith.index_cast %add3A_312 : i32 to index
      %get3A_321 = arith.constant 0 : index
      %get3A_322 = tpu.vector_load %arg13[%get3A_320, %get3A_321] {strides = array<i32>} : memref<512x16xf32, #tpu.memory_space<vmem>>, vector<16xf32>,
      %add3A_323 = arith.addf %add3A_319, %get3A_322 : vector<16xf32>
      %broadcast_in_dim3A_324 = vector.broadcast %add3A_312 : i32 to vector<16xi32>
      tpu.vector_store_idx %arg14[%iota3A, %broadcast_in_dim3A_324], %add3A_323 : memref<16x513xf32, #tpu.memory_space<vmem>>[vector<16xi32>, vector<16xi32>], vector<16xf32>,
      %mul3A_325 = arith.constant 4 : i32
      %mul3A_326 = arith.muli %scan3A_294, %mul3A_325 : i32
      %add3A_327 = arith.constant 2 : i32
      %add3A_328 = arith.addi %mul3A_326, %add3A_327 : i32
      %get3A_329 = arith.index_cast %add3A_328 : i32 to index
      %get3A_330 = arith.constant 0 : index
      %get3A_331 = tpu.vector_load %arg11[%get3A_329, %get3A_330] {strides = array<i32>} : memref<512x16xf32, #tpu.memory_space<vmem>>, vector<16xf32>,
      %get3A_332 = arith.index_cast %add3A_328 : i32 to index
      %get3A_333 = arith.constant 0 : index
      %get3A_334 = tpu.vector_load %arg12[%get3A_332, %get3A_333] {strides = array<i32>} : memref<512x16xf32, #tpu.memory_space<vmem>>, vector<16xf32>,
      %add3A_335 = arith.addf %get3A_331, %get3A_334 : vector<16xf32>
      %get3A_336 = arith.index_cast %add3A_328 : i32 to index
      %get3A_337 = arith.constant 0 : index
      %get3A_338 = tpu.vector_load %arg13[%get3A_336, %get3A_337] {strides = array<i32>} : memref<512x16xf32, #tpu.memory_space<vmem>>, vector<16xf32>,
      %add3A_339 = arith.addf %add3A_335, %get3A_338 : vector<16xf32>
      %broadcast_in_dim3A_340 = vector.broadcast %add3A_328 : i32 to vector<16xi32>
      tpu.vector_store_idx %arg14[%iota3A, %broadcast_in_dim3A_340], %add3A_339 : memref<16x513xf32, #tpu.memory_space<vmem>>[vector<16xi32>, vector<16xi32>], vector<16xf32>,
      %mul3A_341 = arith.constant 4 : i32
      %mul3A_342 = arith.muli %scan3A_294, %mul3A_341 : i32
      %add3A_343 = arith.constant 3 : i32
      %add3A_344 = arith.addi %mul3A_342, %add3A_343 : i32
      %get3A_345 = arith.index_cast %add3A_344 : i32 to index
      %get3A_346 = arith.constant 0 : index
      %get3A_347 = tpu.vector_load %arg11[%get3A_345, %get3A_346] {strides = array<i32>} : memref<512x16xf32, #tpu.memory_space<vmem>>, vector<16xf32>,
      %get3A_348 = arith.index_cast %add3A_344 : i32 to index
      %get3A_349 = arith.constant 0 : index
      %get3A_350 = tpu.vector_load %arg12[%get3A_348, %get3A_349] {strides = array<i32>} : memref<512x16xf32, #tpu.memory_space<vmem>>, vector<16xf32>,
      %add3A_351 = arith.addf %get3A_347, %get3A_350 : vector<16xf32>
      %get3A_352 = arith.index_cast %add3A_344 : i32 to index
      %get3A_353 = arith.constant 0 : index
      %get3A_354 = tpu.vector_load %arg13[%get3A_352, %get3A_353] {strides = array<i32>} : memref<512x16xf32, #tpu.memory_space<vmem>>, vector<16xf32>,
      %add3A_355 = arith.addf %add3A_351, %get3A_354 : vector<16xf32>
      %broadcast_in_dim3A_356 = vector.broadcast %add3A_344 : i32 to vector<16xi32>
      tpu.vector_store_idx %arg14[%iota3A, %broadcast_in_dim3A_356], %add3A_355 : memref<16x513xf32, #tpu.memory_space<vmem>>[vector<16xi32>, vector<16xi32>], vector<16xf32>,
    }
    %scan3A_291 = arith.constant 32 : i32
    %mul3A_292 = arith.constant 512 : i32
    %mul3A_293 = arith.muli %add3A, %mul3A_292 : i32
    "tpu.region"() ({
      %run_scoped3A = tpu.sem_alloc : memref<!tpu.dma_semaphore, #tpu.memory_space<semaphore_mem>>
      %dma_start3A_294 = arith.constant 0 : i32
      %dma_start3A_295 = arith.constant 0 : i32
      %dma_start3A_296 = tpu.memref_slice %arg14[%dma_start3A_294, %dma_start3A_295] : memref<16x513xf32, #tpu.memory_space<vmem>> -> memref<10x512xf32, #tpu.memory_space<vmem>>
      %dma_start3A_297 = arith.constant 0 : i32
      %dma_start3A_298 = tpu.memref_slice %arg7[%dma_start3A_297, %mul3A_293] : memref<10x16384xf32, #tpu.memory_space<hbm>> -> memref<10x512xf32, #tpu.memory_space<hbm>>
      %dma_start3A_299 = arith.constant 0 : i32
      %dma_start3A_300 = tpu.memref_slice %arg7[%dma_start3A_299, %mul3A_293] : memref<10x16384xf32, #tpu.memory_space<hbm>> -> memref<10x512xf32, #tpu.memory_space<hbm>>
      %dma_start3A_301 = arith.constant 0 : i32
      %dma_start3A_302 = arith.constant 0 : i32
      %dma_start3A_303 = tpu.memref_slice %arg14[%dma_start3A_301, %dma_start3A_302] : memref<16x513xf32, #tpu.memory_space<vmem>> -> memref<10x512xf32, #tpu.memory_space<vmem>>
      tpu.enqueue_dma source(%dma_start3A_303 : memref<10x512xf32, #tpu.memory_space<vmem>>) target(%dma_start3A_300 : memref<10x512xf32, #tpu.memory_space<hbm>>) target_semaphore(%run_scoped3A : memref<!tpu.dma_semaphore, #tpu.memory_space<semaphore_mem>>)
      %dma_wait3A_304 = arith.constant 0 : i32
      %dma_wait3A_305 = arith.constant 0 : i32
      %dma_wait3A_306 = tpu.memref_slice %arg14[%dma_wait3A_304, %dma_wait3A_305] : memref<16x513xf32, #tpu.memory_space<vmem>> -> memref<10x512xf32, #tpu.memory_space<vmem>>
      %dma_wait3A_307 = arith.constant 0 : i32
      %dma_wait3A_308 = tpu.memref_slice %arg7[%dma_wait3A_307, %mul3A_293] : memref<10x16384xf32, #tpu.memory_space<hbm>> -> memref<10x512xf32, #tpu.memory_space<hbm>>
      %dma_wait3A_309 = arith.constant 0 : i32
      %dma_wait3A_310 = tpu.memref_slice %arg7[%dma_wait3A_309, %mul3A_293] : memref<10x16384xf32, #tpu.memory_space<hbm>> -> memref<10x512xf32, #tpu.memory_space<hbm>>
      %dma_wait3A_311 = arith.constant 0 : i32
      %dma_wait3A_312 = arith.constant 0 : i32
      %dma_wait3A_313 = tpu.memref_slice %arg14[%dma_wait3A_311, %dma_wait3A_312] : memref<16x513xf32, #tpu.memory_space<vmem>> -> memref<10x512xf32, #tpu.memory_space<vmem>>
      tpu.wait_dma2 semaphore(%run_scoped3A : memref<!tpu.dma_semaphore, #tpu.memory_space<semaphore_mem>>) src(%dma_wait3A_313 : memref<10x512xf32, #tpu.memory_space<vmem>>) dst(%dma_wait3A_310 : memref<10x512xf32, #tpu.memory_space<hbm>>)
      tpu.yield
    }) : () -> ()
    return
  }
}

#map = affine_map<(d0, d1) -> (0, 0)>
module attributes {stable_mosaic.version = 14 : i64} {
  func.func @_warmup(%arg0: i32, %arg1: i32, %arg2: memref<32x16xf32, #tpu.memory_space<hbm>>, %arg3: memref<1x16xf32, #tpu.memory_space<vmem>>) attributes {dimension_semantics = [#tpu.dimension_semantics<core_parallel>, #tpu.dimension_semantics<subcore_parallel>], iteration_bounds = array<i64: 2, 16>, scalar_prefetch = 0 : i64, scratch_operands = 1 : i64, tpu.core_type = #tpu.core_type<sc_vector_subcore>, window_params = [{transform_indices = #map}]} {
    %mul3A = arith.constant 2 : i32
    %mul3A_0 = arith.muli %arg1, %mul3A : i32
    %add3A = arith.addi %mul3A_0, %arg0 : i32
    "tpu.region"() ({
      %run_scoped3A = tpu.sem_alloc : memref<!tpu.dma_semaphore, #tpu.memory_space<semaphore_mem>>
      %dma_start3A = arith.constant 0 : i32
      %dma_start3A_1 = tpu.memref_slice %arg2[%add3A, %dma_start3A] : memref<32x16xf32, #tpu.memory_space<hbm>> -> memref<1x16xf32, #tpu.memory_space<hbm>>
      %dma_start3A_2 = arith.constant 0 : i32
      %dma_start3A_3 = tpu.memref_slice %arg2[%add3A, %dma_start3A_2] : memref<32x16xf32, #tpu.memory_space<hbm>> -> memref<1x16xf32, #tpu.memory_space<hbm>>
      tpu.enqueue_dma source(%arg3 : memref<1x16xf32, #tpu.memory_space<vmem>>) target(%dma_start3A_3 : memref<1x16xf32, #tpu.memory_space<hbm>>) target_semaphore(%run_scoped3A : memref<!tpu.dma_semaphore, #tpu.memory_space<semaphore_mem>>)
      %dma_wait3A = arith.constant 0 : i32
      %dma_wait3A_4 = tpu.memref_slice %arg2[%add3A, %dma_wait3A] : memref<32x16xf32, #tpu.memory_space<hbm>> -> memref<1x16xf32, #tpu.memory_space<hbm>>
      %dma_wait3A_5 = arith.constant 0 : i32
      %dma_wait3A_6 = tpu.memref_slice %arg2[%add3A, %dma_wait3A_5] : memref<32x16xf32, #tpu.memory_space<hbm>> -> memref<1x16xf32, #tpu.memory_space<hbm>>
      tpu.wait_dma2 semaphore(%run_scoped3A : memref<!tpu.dma_semaphore, #tpu.memory_space<semaphore_mem>>) src(%arg3 : memref<1x16xf32, #tpu.memory_space<vmem>>) dst(%dma_wait3A_6 : memref<1x16xf32, #tpu.memory_space<hbm>>)
      tpu.yield
    }) : () -> ()
    return
  }
}

module attributes {stable_mosaic.version = 14 : i64} {
  func.func @_proj_body(%arg0: memref<10000x128xf32, #tpu.memory_space<vmem>>, %arg1: memref<5000x64xf32, #tpu.memory_space<vmem>>, %arg2: memref<256x10xf32, #tpu.memory_space<vmem>>, %arg3: memref<1x10xf32, #tpu.memory_space<vmem>>, %arg4: memref<1250x128xf32, #tpu.memory_space<vmem>>, %arg5: memref<625x128xf32, #tpu.memory_space<vmem>>, %arg6: memref<625x128xf32, #tpu.memory_space<vmem>>) attributes {dimension_semantics = [], scalar_prefetch = 0 : i64, scratch_operands = 0 : i64, tpu.core_type = #tpu.core_type<tc>} {
    %get3A = arith.constant 0 : index
    %get3A_0 = arith.constant 0 : index
    %get3A_1 = vector.load %arg2[%get3A, %get3A_0] : memref<256x10xf32, #tpu.memory_space<vmem>>, vector<256x10xf32>
    %broadcast_in_dim3A = arith.constant 0.000000e+00 : f32
    %broadcast_in_dim3A_2 = vector.broadcast %broadcast_in_dim3A : f32 to vector<256x6xf32>
    %concatenate3A = tpu.concatenate %get3A_1, %broadcast_in_dim3A_2 in 1 : vector<256x10xf32>, vector<256x6xf32> -> vector<256x16xf32>
    %slice3A = vector.extract_strided_slice %concatenate3A {offsets = [0, 0], sizes = [128, 16], strides = [1, 1]} : vector<256x16xf32> to vector<128x16xf32>
    %slice3A_3 = vector.extract_strided_slice %concatenate3A {offsets = [128, 0], sizes = [64, 16], strides = [1, 1]} : vector<256x16xf32> to vector<64x16xf32>
    %slice3A_4 = vector.extract_strided_slice %concatenate3A {offsets = [192, 0], sizes = [64, 16], strides = [1, 1]} : vector<256x16xf32> to vector<64x16xf32>
    %get3A_5 = arith.constant 0 : index
    %get3A_6 = arith.constant 0 : index
    %get3A_7 = vector.load %arg3[%get3A_5, %get3A_6] : memref<1x10xf32, #tpu.memory_space<vmem>>, vector<1x10xf32>
    %broadcast_in_dim3A_8 = arith.constant 0.000000e+00 : f32
    %broadcast_in_dim3A_9 = vector.broadcast %broadcast_in_dim3A_8 : f32 to vector<1x6xf32>
    %concatenate3A_10 = tpu.concatenate %get3A_7, %broadcast_in_dim3A_9 in 1 : vector<1x10xf32>, vector<1x6xf32> -> vector<1x16xf32>
    %get3A_11 = arith.constant 0 : index
    %get3A_12 = arith.constant 0 : index
    %get3A_13 = vector.load %arg0[%get3A_11, %get3A_12] : memref<10000x128xf32, #tpu.memory_space<vmem>>, vector<1250x128xf32>
    %dot_general3A = arith.constant dense<0.000000e+00> : vector<1250x16xf32>
    %dot_general3A_14 = tpu.matmul %get3A_13, %slice3A, %dot_general3A {dimension_numbers = #tpu.dot_dimension_numbers<[1], [0], [0], [1], [0, 0, 1, 1], [], []>, transpose_lhs_hint = false} : vector<1250x128xf32>, vector<128x16xf32>, vector<1250x16xf32> -> vector<1250x16xf32>
    %add3A = vector.broadcast %concatenate3A_10 : vector<1x16xf32> to vector<1250x16xf32>
    %add3A_15 = arith.addf %dot_general3A_14, %add3A : vector<1250x16xf32>
    %swap3A = arith.constant 0 : index
    %swap3A_16 = arith.constant 0 : index
    %swap3A_17 = vector.load %arg4[%swap3A, %swap3A_16] : memref<1250x128xf32, #tpu.memory_space<vmem>>, vector<1250x16xf32>
    tpu.vector_store %arg4[%swap3A, %swap3A_16], %add3A_15 {strides = array<i32>} : memref<1250x128xf32, #tpu.memory_space<vmem>>, vector<1250x16xf32>,
    %get3A_18 = arith.constant 0 : index
    %get3A_19 = arith.constant 0 : index
    %get3A_20 = vector.load %arg1[%get3A_18, %get3A_19] : memref<5000x64xf32, #tpu.memory_space<vmem>>, vector<625x64xf32>
    %dot_general3A_21 = arith.constant dense<0.000000e+00> : vector<625x16xf32>
    %dot_general3A_22 = tpu.matmul %get3A_20, %slice3A_3, %dot_general3A_21 {dimension_numbers = #tpu.dot_dimension_numbers<[1], [0], [0], [1], [0, 0, 1, 1], [], []>, transpose_lhs_hint = false} : vector<625x64xf32>, vector<64x16xf32>, vector<625x16xf32> -> vector<625x16xf32>
    %swap3A_23 = arith.constant 0 : index
    %swap3A_24 = arith.constant 0 : index
    %swap3A_25 = vector.load %arg5[%swap3A_23, %swap3A_24] : memref<625x128xf32, #tpu.memory_space<vmem>>, vector<625x16xf32>
    tpu.vector_store %arg5[%swap3A_23, %swap3A_24], %dot_general3A_22 {strides = array<i32>} : memref<625x128xf32, #tpu.memory_space<vmem>>, vector<625x16xf32>,
    %dot_general3A_26 = arith.constant dense<0.000000e+00> : vector<625x16xf32>
    %dot_general3A_27 = tpu.matmul %get3A_20, %slice3A_4, %dot_general3A_26 {dimension_numbers = #tpu.dot_dimension_numbers<[1], [0], [0], [1], [0, 0, 1, 1], [], []>, transpose_lhs_hint = false} : vector<625x64xf32>, vector<64x16xf32>, vector<625x16xf32> -> vector<625x16xf32>
    %swap3A_28 = arith.constant 0 : index
    %swap3A_29 = arith.constant 0 : index
    %swap3A_30 = vector.load %arg6[%swap3A_28, %swap3A_29] : memref<625x128xf32, #tpu.memory_space<vmem>>, vector<625x16xf32>
    tpu.vector_store %arg6[%swap3A_28, %swap3A_29], %dot_general3A_27 {strides = array<i32>} : memref<625x128xf32, #tpu.memory_space<vmem>>, vector<625x16xf32>,
    %get3A_31 = arith.constant 1250 : index
    %get3A_32 = arith.constant 0 : index
    %get3A_33 = vector.load %arg0[%get3A_31, %get3A_32] : memref<10000x128xf32, #tpu.memory_space<vmem>>, vector<1250x128xf32>
    %dot_general3A_34 = arith.constant dense<0.000000e+00> : vector<1250x16xf32>
    %dot_general3A_35 = tpu.matmul %get3A_33, %slice3A, %dot_general3A_34 {dimension_numbers = #tpu.dot_dimension_numbers<[1], [0], [0], [1], [0, 0, 1, 1], [], []>, transpose_lhs_hint = false} : vector<1250x128xf32>, vector<128x16xf32>, vector<1250x16xf32> -> vector<1250x16xf32>
    %add3A_36 = vector.broadcast %concatenate3A_10 : vector<1x16xf32> to vector<1250x16xf32>
    %add3A_37 = arith.addf %dot_general3A_35, %add3A_36 : vector<1250x16xf32>
    %swap3A_38 = arith.constant 0 : index
    %swap3A_39 = arith.constant 16 : index
    %swap3A_40 = vector.load %arg4[%swap3A_38, %swap3A_39] : memref<1250x128xf32, #tpu.memory_space<vmem>>, vector<1250x16xf32>
    tpu.vector_store %arg4[%swap3A_38, %swap3A_39], %add3A_37 {strides = array<i32>} : memref<1250x128xf32, #tpu.memory_space<vmem>>, vector<1250x16xf32>,
    %get3A_41 = arith.constant 625 : index
    %get3A_42 = arith.constant 0 : index
    %get3A_43 = vector.load %arg1[%get3A_41, %get3A_42] : memref<5000x64xf32, #tpu.memory_space<vmem>>, vector<625x64xf32>
    %dot_general3A_44 = arith.constant dense<0.000000e+00> : vector<625x16xf32>
    %dot_general3A_45 = tpu.matmul %get3A_43, %slice3A_3, %dot_general3A_44 {dimension_numbers = #tpu.dot_dimension_numbers<[1], [0], [0], [1], [0, 0, 1, 1], [], []>, transpose_lhs_hint = false} : vector<625x64xf32>, vector<64x16xf32>, vector<625x16xf32> -> vector<625x16xf32>
    %swap3A_46 = arith.constant 0 : index
    %swap3A_47 = arith.constant 16 : index
    %swap3A_48 = vector.load %arg5[%swap3A_46, %swap3A_47] : memref<625x128xf32, #tpu.memory_space<vmem>>, vector<625x16xf32>
    tpu.vector_store %arg5[%swap3A_46, %swap3A_47], %dot_general3A_45 {strides = array<i32>} : memref<625x128xf32, #tpu.memory_space<vmem>>, vector<625x16xf32>,
    %dot_general3A_49 = arith.constant dense<0.000000e+00> : vector<625x16xf32>
    %dot_general3A_50 = tpu.matmul %get3A_43, %slice3A_4, %dot_general3A_49 {dimension_numbers = #tpu.dot_dimension_numbers<[1], [0], [0], [1], [0, 0, 1, 1], [], []>, transpose_lhs_hint = false} : vector<625x64xf32>, vector<64x16xf32>, vector<625x16xf32> -> vector<625x16xf32>
    %swap3A_51 = arith.constant 0 : index
    %swap3A_52 = arith.constant 16 : index
    %swap3A_53 = vector.load %arg6[%swap3A_51, %swap3A_52] : memref<625x128xf32, #tpu.memory_space<vmem>>, vector<625x16xf32>
    tpu.vector_store %arg6[%swap3A_51, %swap3A_52], %dot_general3A_50 {strides = array<i32>} : memref<625x128xf32, #tpu.memory_space<vmem>>, vector<625x16xf32>,
    %get3A_54 = arith.constant 2500 : index
    %get3A_55 = arith.constant 0 : index
    %get3A_56 = vector.load %arg0[%get3A_54, %get3A_55] : memref<10000x128xf32, #tpu.memory_space<vmem>>, vector<1250x128xf32>
    %dot_general3A_57 = arith.constant dense<0.000000e+00> : vector<1250x16xf32>
    %dot_general3A_58 = tpu.matmul %get3A_56, %slice3A, %dot_general3A_57 {dimension_numbers = #tpu.dot_dimension_numbers<[1], [0], [0], [1], [0, 0, 1, 1], [], []>, transpose_lhs_hint = false} : vector<1250x128xf32>, vector<128x16xf32>, vector<1250x16xf32> -> vector<1250x16xf32>
    %add3A_59 = vector.broadcast %concatenate3A_10 : vector<1x16xf32> to vector<1250x16xf32>
    %add3A_60 = arith.addf %dot_general3A_58, %add3A_59 : vector<1250x16xf32>
    %swap3A_61 = arith.constant 0 : index
    %swap3A_62 = arith.constant 32 : index
    %swap3A_63 = vector.load %arg4[%swap3A_61, %swap3A_62] : memref<1250x128xf32, #tpu.memory_space<vmem>>, vector<1250x16xf32>
    tpu.vector_store %arg4[%swap3A_61, %swap3A_62], %add3A_60 {strides = array<i32>} : memref<1250x128xf32, #tpu.memory_space<vmem>>, vector<1250x16xf32>,
    %get3A_64 = arith.constant 1250 : index
    %get3A_65 = arith.constant 0 : index
    %get3A_66 = vector.load %arg1[%get3A_64, %get3A_65] : memref<5000x64xf32, #tpu.memory_space<vmem>>, vector<625x64xf32>
    %dot_general3A_67 = arith.constant dense<0.000000e+00> : vector<625x16xf32>
    %dot_general3A_68 = tpu.matmul %get3A_66, %slice3A_3, %dot_general3A_67 {dimension_numbers = #tpu.dot_dimension_numbers<[1], [0], [0], [1], [0, 0, 1, 1], [], []>, transpose_lhs_hint = false} : vector<625x64xf32>, vector<64x16xf32>, vector<625x16xf32> -> vector<625x16xf32>
    %swap3A_69 = arith.constant 0 : index
    %swap3A_70 = arith.constant 32 : index
    %swap3A_71 = vector.load %arg5[%swap3A_69, %swap3A_70] : memref<625x128xf32, #tpu.memory_space<vmem>>, vector<625x16xf32>
    tpu.vector_store %arg5[%swap3A_69, %swap3A_70], %dot_general3A_68 {strides = array<i32>} : memref<625x128xf32, #tpu.memory_space<vmem>>, vector<625x16xf32>,
    %dot_general3A_72 = arith.constant dense<0.000000e+00> : vector<625x16xf32>
    %dot_general3A_73 = tpu.matmul %get3A_66, %slice3A_4, %dot_general3A_72 {dimension_numbers = #tpu.dot_dimension_numbers<[1], [0], [0], [1], [0, 0, 1, 1], [], []>, transpose_lhs_hint = false} : vector<625x64xf32>, vector<64x16xf32>, vector<625x16xf32> -> vector<625x16xf32>
    %swap3A_74 = arith.constant 0 : index
    %swap3A_75 = arith.constant 32 : index
    %swap3A_76 = vector.load %arg6[%swap3A_74, %swap3A_75] : memref<625x128xf32, #tpu.memory_space<vmem>>, vector<625x16xf32>
    tpu.vector_store %arg6[%swap3A_74, %swap3A_75], %dot_general3A_73 {strides = array<i32>} : memref<625x128xf32, #tpu.memory_space<vmem>>, vector<625x16xf32>,
    %get3A_77 = arith.constant 3750 : index
    %get3A_78 = arith.constant 0 : index
    %get3A_79 = vector.load %arg0[%get3A_77, %get3A_78] : memref<10000x128xf32, #tpu.memory_space<vmem>>, vector<1250x128xf32>
    %dot_general3A_80 = arith.constant dense<0.000000e+00> : vector<1250x16xf32>
    %dot_general3A_81 = tpu.matmul %get3A_79, %slice3A, %dot_general3A_80 {dimension_numbers = #tpu.dot_dimension_numbers<[1], [0], [0], [1], [0, 0, 1, 1], [], []>, transpose_lhs_hint = false} : vector<1250x128xf32>, vector<128x16xf32>, vector<1250x16xf32> -> vector<1250x16xf32>
    %add3A_82 = vector.broadcast %concatenate3A_10 : vector<1x16xf32> to vector<1250x16xf32>
    %add3A_83 = arith.addf %dot_general3A_81, %add3A_82 : vector<1250x16xf32>
    %swap3A_84 = arith.constant 0 : index
    %swap3A_85 = arith.constant 48 : index
    %swap3A_86 = vector.load %arg4[%swap3A_84, %swap3A_85] : memref<1250x128xf32, #tpu.memory_space<vmem>>, vector<1250x16xf32>
    tpu.vector_store %arg4[%swap3A_84, %swap3A_85], %add3A_83 {strides = array<i32>} : memref<1250x128xf32, #tpu.memory_space<vmem>>, vector<1250x16xf32>,
    %get3A_87 = arith.constant 1875 : index
    %get3A_88 = arith.constant 0 : index
    %get3A_89 = vector.load %arg1[%get3A_87, %get3A_88] : memref<5000x64xf32, #tpu.memory_space<vmem>>, vector<625x64xf32>
    %dot_general3A_90 = arith.constant dense<0.000000e+00> : vector<625x16xf32>
    %dot_general3A_91 = tpu.matmul %get3A_89, %slice3A_3, %dot_general3A_90 {dimension_numbers = #tpu.dot_dimension_numbers<[1], [0], [0], [1], [0, 0, 1, 1], [], []>, transpose_lhs_hint = false} : vector<625x64xf32>, vector<64x16xf32>, vector<625x16xf32> -> vector<625x16xf32>
    %swap3A_92 = arith.constant 0 : index
    %swap3A_93 = arith.constant 48 : index
    %swap3A_94 = vector.load %arg5[%swap3A_92, %swap3A_93] : memref<625x128xf32, #tpu.memory_space<vmem>>, vector<625x16xf32>
    tpu.vector_store %arg5[%swap3A_92, %swap3A_93], %dot_general3A_91 {strides = array<i32>} : memref<625x128xf32, #tpu.memory_space<vmem>>, vector<625x16xf32>,
    %dot_general3A_95 = arith.constant dense<0.000000e+00> : vector<625x16xf32>
    %dot_general3A_96 = tpu.matmul %get3A_89, %slice3A_4, %dot_general3A_95 {dimension_numbers = #tpu.dot_dimension_numbers<[1], [0], [0], [1], [0, 0, 1, 1], [], []>, transpose_lhs_hint = false} : vector<625x64xf32>, vector<64x16xf32>, vector<625x16xf32> -> vector<625x16xf32>
    %swap3A_97 = arith.constant 0 : index
    %swap3A_98 = arith.constant 48 : index
    %swap3A_99 = vector.load %arg6[%swap3A_97, %swap3A_98] : memref<625x128xf32, #tpu.memory_space<vmem>>, vector<625x16xf32>
    tpu.vector_store %arg6[%swap3A_97, %swap3A_98], %dot_general3A_96 {strides = array<i32>} : memref<625x128xf32, #tpu.memory_space<vmem>>, vector<625x16xf32>,
    %get3A_100 = arith.constant 5000 : index
    %get3A_101 = arith.constant 0 : index
    %get3A_102 = vector.load %arg0[%get3A_100, %get3A_101] : memref<10000x128xf32, #tpu.memory_space<vmem>>, vector<1250x128xf32>
    %dot_general3A_103 = arith.constant dense<0.000000e+00> : vector<1250x16xf32>
    %dot_general3A_104 = tpu.matmul %get3A_102, %slice3A, %dot_general3A_103 {dimension_numbers = #tpu.dot_dimension_numbers<[1], [0], [0], [1], [0, 0, 1, 1], [], []>, transpose_lhs_hint = false} : vector<1250x128xf32>, vector<128x16xf32>, vector<1250x16xf32> -> vector<1250x16xf32>
    %add3A_105 = vector.broadcast %concatenate3A_10 : vector<1x16xf32> to vector<1250x16xf32>
    %add3A_106 = arith.addf %dot_general3A_104, %add3A_105 : vector<1250x16xf32>
    %swap3A_107 = arith.constant 0 : index
    %swap3A_108 = arith.constant 64 : index
    %swap3A_109 = vector.load %arg4[%swap3A_107, %swap3A_108] : memref<1250x128xf32, #tpu.memory_space<vmem>>, vector<1250x16xf32>
    tpu.vector_store %arg4[%swap3A_107, %swap3A_108], %add3A_106 {strides = array<i32>} : memref<1250x128xf32, #tpu.memory_space<vmem>>, vector<1250x16xf32>,
    %get3A_110 = arith.constant 2500 : index
    %get3A_111 = arith.constant 0 : index
    %get3A_112 = vector.load %arg1[%get3A_110, %get3A_111] : memref<5000x64xf32, #tpu.memory_space<vmem>>, vector<625x64xf32>
    %dot_general3A_113 = arith.constant dense<0.000000e+00> : vector<625x16xf32>
    %dot_general3A_114 = tpu.matmul %get3A_112, %slice3A_3, %dot_general3A_113 {dimension_numbers = #tpu.dot_dimension_numbers<[1], [0], [0], [1], [0, 0, 1, 1], [], []>, transpose_lhs_hint = false} : vector<625x64xf32>, vector<64x16xf32>, vector<625x16xf32> -> vector<625x16xf32>
    %swap3A_115 = arith.constant 0 : index
    %swap3A_116 = arith.constant 64 : index
    %swap3A_117 = vector.load %arg5[%swap3A_115, %swap3A_116] : memref<625x128xf32, #tpu.memory_space<vmem>>, vector<625x16xf32>
    tpu.vector_store %arg5[%swap3A_115, %swap3A_116], %dot_general3A_114 {strides = array<i32>} : memref<625x128xf32, #tpu.memory_space<vmem>>, vector<625x16xf32>,
    %dot_general3A_118 = arith.constant dense<0.000000e+00> : vector<625x16xf32>
    %dot_general3A_119 = tpu.matmul %get3A_112, %slice3A_4, %dot_general3A_118 {dimension_numbers = #tpu.dot_dimension_numbers<[1], [0], [0], [1], [0, 0, 1, 1], [], []>, transpose_lhs_hint = false} : vector<625x64xf32>, vector<64x16xf32>, vector<625x16xf32> -> vector<625x16xf32>
    %swap3A_120 = arith.constant 0 : index
    %swap3A_121 = arith.constant 64 : index
    %swap3A_122 = vector.load %arg6[%swap3A_120, %swap3A_121] : memref<625x128xf32, #tpu.memory_space<vmem>>, vector<625x16xf32>
    tpu.vector_store %arg6[%swap3A_120, %swap3A_121], %dot_general3A_119 {strides = array<i32>} : memref<625x128xf32, #tpu.memory_space<vmem>>, vector<625x16xf32>,
    %get3A_123 = arith.constant 6250 : index
    %get3A_124 = arith.constant 0 : index
    %get3A_125 = vector.load %arg0[%get3A_123, %get3A_124] : memref<10000x128xf32, #tpu.memory_space<vmem>>, vector<1250x128xf32>
    %dot_general3A_126 = arith.constant dense<0.000000e+00> : vector<1250x16xf32>
    %dot_general3A_127 = tpu.matmul %get3A_125, %slice3A, %dot_general3A_126 {dimension_numbers = #tpu.dot_dimension_numbers<[1], [0], [0], [1], [0, 0, 1, 1], [], []>, transpose_lhs_hint = false} : vector<1250x128xf32>, vector<128x16xf32>, vector<1250x16xf32> -> vector<1250x16xf32>
    %add3A_128 = vector.broadcast %concatenate3A_10 : vector<1x16xf32> to vector<1250x16xf32>
    %add3A_129 = arith.addf %dot_general3A_127, %add3A_128 : vector<1250x16xf32>
    %swap3A_130 = arith.constant 0 : index
    %swap3A_131 = arith.constant 80 : index
    %swap3A_132 = vector.load %arg4[%swap3A_130, %swap3A_131] : memref<1250x128xf32, #tpu.memory_space<vmem>>, vector<1250x16xf32>
    tpu.vector_store %arg4[%swap3A_130, %swap3A_131], %add3A_129 {strides = array<i32>} : memref<1250x128xf32, #tpu.memory_space<vmem>>, vector<1250x16xf32>,
    %get3A_133 = arith.constant 3125 : index
    %get3A_134 = arith.constant 0 : index
    %get3A_135 = vector.load %arg1[%get3A_133, %get3A_134] : memref<5000x64xf32, #tpu.memory_space<vmem>>, vector<625x64xf32>
    %dot_general3A_136 = arith.constant dense<0.000000e+00> : vector<625x16xf32>
    %dot_general3A_137 = tpu.matmul %get3A_135, %slice3A_3, %dot_general3A_136 {dimension_numbers = #tpu.dot_dimension_numbers<[1], [0], [0], [1], [0, 0, 1, 1], [], []>, transpose_lhs_hint = false} : vector<625x64xf32>, vector<64x16xf32>, vector<625x16xf32> -> vector<625x16xf32>
    %swap3A_138 = arith.constant 0 : index
    %swap3A_139 = arith.constant 80 : index
    %swap3A_140 = vector.load %arg5[%swap3A_138, %swap3A_139] : memref<625x128xf32, #tpu.memory_space<vmem>>, vector<625x16xf32>
    tpu.vector_store %arg5[%swap3A_138, %swap3A_139], %dot_general3A_137 {strides = array<i32>} : memref<625x128xf32, #tpu.memory_space<vmem>>, vector<625x16xf32>,
    %dot_general3A_141 = arith.constant dense<0.000000e+00> : vector<625x16xf32>
    %dot_general3A_142 = tpu.matmul %get3A_135, %slice3A_4, %dot_general3A_141 {dimension_numbers = #tpu.dot_dimension_numbers<[1], [0], [0], [1], [0, 0, 1, 1], [], []>, transpose_lhs_hint = false} : vector<625x64xf32>, vector<64x16xf32>, vector<625x16xf32> -> vector<625x16xf32>
    %swap3A_143 = arith.constant 0 : index
    %swap3A_144 = arith.constant 80 : index
    %swap3A_145 = vector.load %arg6[%swap3A_143, %swap3A_144] : memref<625x128xf32, #tpu.memory_space<vmem>>, vector<625x16xf32>
    tpu.vector_store %arg6[%swap3A_143, %swap3A_144], %dot_general3A_142 {strides = array<i32>} : memref<625x128xf32, #tpu.memory_space<vmem>>, vector<625x16xf32>,
    %get3A_146 = arith.constant 7500 : index
    %get3A_147 = arith.constant 0 : index
    %get3A_148 = vector.load %arg0[%get3A_146, %get3A_147] : memref<10000x128xf32, #tpu.memory_space<vmem>>, vector<1250x128xf32>
    %dot_general3A_149 = arith.constant dense<0.000000e+00> : vector<1250x16xf32>
    %dot_general3A_150 = tpu.matmul %get3A_148, %slice3A, %dot_general3A_149 {dimension_numbers = #tpu.dot_dimension_numbers<[1], [0], [0], [1], [0, 0, 1, 1], [], []>, transpose_lhs_hint = false} : vector<1250x128xf32>, vector<128x16xf32>, vector<1250x16xf32> -> vector<1250x16xf32>
    %add3A_151 = vector.broadcast %concatenate3A_10 : vector<1x16xf32> to vector<1250x16xf32>
    %add3A_152 = arith.addf %dot_general3A_150, %add3A_151 : vector<1250x16xf32>
    %swap3A_153 = arith.constant 0 : index
    %swap3A_154 = arith.constant 96 : index
    %swap3A_155 = vector.load %arg4[%swap3A_153, %swap3A_154] : memref<1250x128xf32, #tpu.memory_space<vmem>>, vector<1250x16xf32>
    tpu.vector_store %arg4[%swap3A_153, %swap3A_154], %add3A_152 {strides = array<i32>} : memref<1250x128xf32, #tpu.memory_space<vmem>>, vector<1250x16xf32>,
    %get3A_156 = arith.constant 3750 : index
    %get3A_157 = arith.constant 0 : index
    %get3A_158 = vector.load %arg1[%get3A_156, %get3A_157] : memref<5000x64xf32, #tpu.memory_space<vmem>>, vector<625x64xf32>
    %dot_general3A_159 = arith.constant dense<0.000000e+00> : vector<625x16xf32>
    %dot_general3A_160 = tpu.matmul %get3A_158, %slice3A_3, %dot_general3A_159 {dimension_numbers = #tpu.dot_dimension_numbers<[1], [0], [0], [1], [0, 0, 1, 1], [], []>, transpose_lhs_hint = false} : vector<625x64xf32>, vector<64x16xf32>, vector<625x16xf32> -> vector<625x16xf32>
    %swap3A_161 = arith.constant 0 : index
    %swap3A_162 = arith.constant 96 : index
    %swap3A_163 = vector.load %arg5[%swap3A_161, %swap3A_162] : memref<625x128xf32, #tpu.memory_space<vmem>>, vector<625x16xf32>
    tpu.vector_store %arg5[%swap3A_161, %swap3A_162], %dot_general3A_160 {strides = array<i32>} : memref<625x128xf32, #tpu.memory_space<vmem>>, vector<625x16xf32>,
    %dot_general3A_164 = arith.constant dense<0.000000e+00> : vector<625x16xf32>
    %dot_general3A_165 = tpu.matmul %get3A_158, %slice3A_4, %dot_general3A_164 {dimension_numbers = #tpu.dot_dimension_numbers<[1], [0], [0], [1], [0, 0, 1, 1], [], []>, transpose_lhs_hint = false} : vector<625x64xf32>, vector<64x16xf32>, vector<625x16xf32> -> vector<625x16xf32>
    %swap3A_166 = arith.constant 0 : index
    %swap3A_167 = arith.constant 96 : index
    %swap3A_168 = vector.load %arg6[%swap3A_166, %swap3A_167] : memref<625x128xf32, #tpu.memory_space<vmem>>, vector<625x16xf32>
    tpu.vector_store %arg6[%swap3A_166, %swap3A_167], %dot_general3A_165 {strides = array<i32>} : memref<625x128xf32, #tpu.memory_space<vmem>>, vector<625x16xf32>,
    %get3A_169 = arith.constant 8750 : index
    %get3A_170 = arith.constant 0 : index
    %get3A_171 = vector.load %arg0[%get3A_169, %get3A_170] : memref<10000x128xf32, #tpu.memory_space<vmem>>, vector<1250x128xf32>
    %dot_general3A_172 = arith.constant dense<0.000000e+00> : vector<1250x16xf32>
    %dot_general3A_173 = tpu.matmul %get3A_171, %slice3A, %dot_general3A_172 {dimension_numbers = #tpu.dot_dimension_numbers<[1], [0], [0], [1], [0, 0, 1, 1], [], []>, transpose_lhs_hint = false} : vector<1250x128xf32>, vector<128x16xf32>, vector<1250x16xf32> -> vector<1250x16xf32>
    %add3A_174 = vector.broadcast %concatenate3A_10 : vector<1x16xf32> to vector<1250x16xf32>
    %add3A_175 = arith.addf %dot_general3A_173, %add3A_174 : vector<1250x16xf32>
    %swap3A_176 = arith.constant 0 : index
    %swap3A_177 = arith.constant 112 : index
    %swap3A_178 = vector.load %arg4[%swap3A_176, %swap3A_177] : memref<1250x128xf32, #tpu.memory_space<vmem>>, vector<1250x16xf32>
    tpu.vector_store %arg4[%swap3A_176, %swap3A_177], %add3A_175 {strides = array<i32>} : memref<1250x128xf32, #tpu.memory_space<vmem>>, vector<1250x16xf32>,
    %get3A_179 = arith.constant 4375 : index
    %get3A_180 = arith.constant 0 : index
    %get3A_181 = vector.load %arg1[%get3A_179, %get3A_180] : memref<5000x64xf32, #tpu.memory_space<vmem>>, vector<625x64xf32>
    %dot_general3A_182 = arith.constant dense<0.000000e+00> : vector<625x16xf32>
    %dot_general3A_183 = tpu.matmul %get3A_181, %slice3A_3, %dot_general3A_182 {dimension_numbers = #tpu.dot_dimension_numbers<[1], [0], [0], [1], [0, 0, 1, 1], [], []>, transpose_lhs_hint = false} : vector<625x64xf32>, vector<64x16xf32>, vector<625x16xf32> -> vector<625x16xf32>
    %swap3A_184 = arith.constant 0 : index
    %swap3A_185 = arith.constant 112 : index
    %swap3A_186 = vector.load %arg5[%swap3A_184, %swap3A_185] : memref<625x128xf32, #tpu.memory_space<vmem>>, vector<625x16xf32>
    tpu.vector_store %arg5[%swap3A_184, %swap3A_185], %dot_general3A_183 {strides = array<i32>} : memref<625x128xf32, #tpu.memory_space<vmem>>, vector<625x16xf32>,
    %dot_general3A_187 = arith.constant dense<0.000000e+00> : vector<625x16xf32>
    %dot_general3A_188 = tpu.matmul %get3A_181, %slice3A_4, %dot_general3A_187 {dimension_numbers = #tpu.dot_dimension_numbers<[1], [0], [0], [1], [0, 0, 1, 1], [], []>, transpose_lhs_hint = false} : vector<625x64xf32>, vector<64x16xf32>, vector<625x16xf32> -> vector<625x16xf32>
    %swap3A_189 = arith.constant 0 : index
    %swap3A_190 = arith.constant 112 : index
    %swap3A_191 = vector.load %arg6[%swap3A_189, %swap3A_190] : memref<625x128xf32, #tpu.memory_space<vmem>>, vector<625x16xf32>
    tpu.vector_store %arg6[%swap3A_189, %swap3A_190], %dot_general3A_188 {strides = array<i32>} : memref<625x128xf32, #tpu.memory_space<vmem>>, vector<625x16xf32>,
    return
  }
}

</mosaic_0001>

<sc_bundles>
// kernel: kernel.5.cloned.1.call-start
scs
__scs_entry_jumppad:
0x0: {  	(pc) =	sbr.rel $0x88, $3  }
0x1: {  	(tag) =	ssettag $0x0;
	lr =	simm.s32 $0x1  }
0x2: {  	[smem:$0x3F9B] =	sst lr;
	_ =	strace $0xD0000000  }
0x3: {  	_ = 	snop  }
0x4: {  	_ = 	snop  }
0x5: {  	_ = 	snop  }
0x6: {  	_ = 	snop  }
0x7: {  	_ = 	snop  }
__scs_overlays_trampoline_lowered:
0x8: {  	[smem:$0x3FAA] =	sst s0  }
0x9: {  	[smem:$0x3FAB] =	sst s1  }
0xa: {  	[smem:$0x3FAC] =	sst s2  }
0xb: {  	[smem:$0x3FAD] =	sst s3  }
0xc: {  	[smem:$0x3FAE] =	sst s4  }
0xd: {  	[smem:$0x3FAF] =	sst s5  }
0xe: {  	[smem:$0x3FB0] =	sst s6  }
0xf: {  	[smem:$0x3FB1] =	sst s7  }
0x10: {  	[smem:$0x3FB2] =	sst s8  }
0x11: {  	[smem:$0x3FB3] =	sst s9;
	s0 =	simm.s32 @!p0 $0x0  }
0x12: {  	s1 =	sld [smem:$0x3F99];
	s0 =	simm.s32 @p0 $0x1  }
0x13: {  	[smem:$0x3FB4] =	sst s0;
	s0 =	simm.s32 @!p1 $0x0  }
0x14: {  	s2 =	sld [smem:$0x3F98];
	s0 =	simm.s32 @p1 $0x1  }
0x15: {  	[smem:$0x3FB5] =	sst s0;
	s0 =	simm.s32 @!p2 $0x0  }
0x16: {  	s3 =	sld [smem:$0x3FDB];
	s0 =	simm.s32 @p2 $0x1  }
0x17: {  	s4 =	simm.s32 $0x1BF5;
	[smem:$0x3FB7] =	sst s0  }
0x18: {  	s0 =	sld [smem:$0x3F9A];
	_ =	swait.ge [sflag:s4], $0x0  }
0x19: {  	s7 =	sld [smem:$0x3F9B]  }
0x1a: {  	s8 =	sadd.s32 $0xFFFFE003, lr  }
0x1b: {  	s9 =	sadd.s32 $0xFFFFFEF7, lr;
	s5 =	simm.s32 $0xFFFFFFFF;
	p2 =	slt.u32 s8, $0xFFFFF086  }
0x1c: {  	p1 =	slt.u32 s9, $0xF7A;
	s5 =	simm.s32 @!p2 $0x0  }
0x1d: {  	s5 =	simm.s32 @p1 $0x1;
	p0 =	seq.s32 s7, s2  }
0x1e: {  	s7 =	smul.u32 @!p0 $0xF7A, s2;
	p2 =	seq.s32 @!p0 s5, $0x0  }
0x1f: {  	s9 =	smul.u32 $0xF7A, s1;
	s8 =	simm.s32 @!p0 $0x1BF5;
	p2 =	por !p2, p0  }
0x20: {  	[sflag:s8] =	ssyncset.s32 @!p0 $0xFFFFF086;
	s6 =	sadd.s32 @!p0 s3, s7;
	s7 =	simm.s32 @!p0 $0x108  }
0x21: {  	s3 =	sadd.s32 s3, s9;
	s6 =	sadd.s32 @!p0 $0x88, s6;
	s7 =	simm.s32 @p2 $0x1082  }
0x22: {  	[simem:s7], [sflag:s8] =	dma.local @!p0 [hbm:s6], $0xF7A  }
0x23: {  	s9 =	sor.u32 $0xD0000000, s2;
	s6 =	simm.s32 $0x108;
	_ =	swait.ge @!p0 [sflag:s8], $0x0  }
0x24: {  	s3 =	sadd.s32 $0x88, s3;
	s6 =	simm.s32 @!p1 $0x1082;
	[sflag:s4] =	ssyncset.s32 $0xFFFFF086  }
0x25: {  	[simem:s6], [sflag:s4] =	dma.local [hbm:s3], $0xF7A  }
0x26: {  	[smem:$0x3F9B] =	sst s1;
	(tag) =	ssettag s2;
	_ =	strace s9  }
0x27: {  	s1 =	sld [smem:$0x3FAB]  }
0x28: {  	s2 =	sld [smem:$0x3FAC]  }
0x29: {  	s4 =	sld [smem:$0x3FAE]  }
0x2a: {  	p0 =	seq.s32 s5, $0x0;
	s5 =	sld [smem:$0x3FAF]  }
0x2b: {  	s6 =	sld [smem:$0x3FB0]  }
0x2c: {  	s7 =	sld [smem:$0x3FB1]  }
0x2d: {  	s3 =	simm.s32 $0x108;
	s8 =	sld [smem:$0x3FB2]  }
0x2e: {  	s3 =	simm.s32 @!p0 $0x1082;
	s9 =	sld [smem:$0x3FB3]  }
0x2f: {  	lr =	sadd.s32 s0, s3;
	s0 =	sld [smem:$0x3FAA]  }
0x30: {  	s3 =	sld [smem:$0x3FAD]  }
0x31: {  	[smem:$0x3FB6] =	sst s10  }
0x32: {  	s10 =	sld [smem:$0x3FB4];
	_ =	sdelay $0x3  }
0x33: {  	p0 =	seq.s32 s10, $0x1;
	s10 =	sld [smem:$0x3FB6];
	_ =	sdelay $0x3  }
0x34: {  	[smem:$0x3FB6] =	sst s10  }
0x35: {  	s10 =	sld [smem:$0x3FB5];
	_ =	sdelay $0x3  }
0x36: {  	p1 =	seq.s32 s10, $0x1;
	s10 =	sld [smem:$0x3FB6];
	_ =	sdelay $0x3  }
0x37: {  	[smem:$0x3FB6] =	sst s10  }
0x38: {  	s10 =	sld [smem:$0x3FB7]  }
0x39: {  	_ = 	snop;
	(pc) =	sbr.ind lr, $3  }
0x3a: {  	_ = 	snop  }
0x3b: {  	_ = 	snop  }
0x3c: {  	p2 =	seq.s32 s10, $0x1;
	s10 =	sld [smem:$0x3FB6]  }
0x3d: {  	_ =	shalt  }
0x3e: {  	_ =	shalt  }
0x3f: {  	_ =	shalt  }
0x40: {  	_ =	shalt  }
0x41: {  	_ =	shalt  }
0x42: {  	_ =	shalt  }
0x43: {  	_ =	shalt  }
0x44: {  	_ =	shalt  }
0x45: {  	_ =	shalt  }
0x46: {  	_ =	shalt  }
0x47: {  	_ =	shalt  }
0x48: {  	_ =	shalt  }
0x49: {  	_ =	shalt  }
0x4a: {  	_ =	shalt  }
0x4b: {  	_ =	shalt  }
0x4c: {  	_ =	shalt  }
0x4d: {  	_ =	shalt  }
0x4e: {  	_ =	shalt  }
0x4f: {  	_ =	shalt  }
0x50: {  	_ =	shalt  }
0x51: {  	_ =	shalt  }
0x52: {  	_ =	shalt  }
0x53: {  	_ =	shalt  }
0x54: {  	_ =	shalt  }
0x55: {  	_ =	shalt  }
0x56: {  	_ =	shalt  }
0x57: {  	_ =	shalt  }
0x58: {  	_ =	shalt  }
0x59: {  	_ =	shalt  }
0x5a: {  	_ =	shalt  }
0x5b: {  	_ =	shalt  }
0x5c: {  	_ =	shalt  }
0x5d: {  	_ =	shalt  }
0x5e: {  	_ =	shalt  }
0x5f: {  	_ =	shalt  }
0x60: {  	_ =	shalt  }
0x61: {  	_ =	shalt  }
0x62: {  	_ =	shalt  }
0x63: {  	_ =	shalt  }
0x64: {  	_ =	shalt  }
0x65: {  	_ =	shalt  }
0x66: {  	_ =	shalt  }
0x67: {  	_ =	shalt  }
0x68: {  	_ =	shalt  }
0x69: {  	_ =	shalt  }
0x6a: {  	_ =	shalt  }
0x6b: {  	_ =	shalt  }
0x6c: {  	_ =	shalt  }
0x6d: {  	_ =	shalt  }
0x6e: {  	_ =	shalt  }
0x6f: {  	_ =	shalt  }
0x70: {  	_ =	shalt  }
0x71: {  	_ =	shalt  }
0x72: {  	_ =	shalt  }
0x73: {  	_ =	shalt  }
0x74: {  	_ =	shalt  }
0x75: {  	_ =	shalt  }
0x76: {  	_ =	shalt  }
0x77: {  	_ =	shalt  }
0x78: {  	_ =	shalt  }
0x79: {  	_ =	shalt  }
0x7a: {  	_ =	shalt  }
0x7b: {  	_ =	shalt  }
0x7c: {  	_ =	shalt  }
0x7d: {  	_ =	shalt  }
0x7e: {  	_ =	shalt  }
0x7f: {  	_ =	shalt  }
0x80: {  	_ =	shalt  }
0x81: {  	_ =	shalt  }
0x82: {  	_ =	shalt  }
0x83: {  	_ =	shalt  }
0x84: {  	_ =	shalt  }
0x85: {  	_ =	shalt  }
0x86: {  	_ =	shalt  }
0x87: {  	_ =	shalt  }
.Lfunc_end0:
.L_simem_size_0:
called_computation_lowered:
.L_overlay_start_0:
0x88: {  	s2 =	sld [smem:$0x3FD9]  }
0x89: {  	s3 =	sld [smem:$0x3FFE];
	_ =	sdelay $0x1  }
0x8a: {  	s1 =	srdreg.scid  }
0x8b: {  	s0 =	sand.u32 $0x1, s1  }
0x8c: {  	s16 =	sshll.u32 s0, $0xA;
	s2 =	sadd.s32 s3, s2  }
0x8d: {  	s2 =	sadd.s32 s2, s16  }
0x8e: {  	[smem:$0x3FC2] =	sst s2  }
0x8f: {  	_ = 	snop  }
0x90: {  	(tm) =	ssettm $0x1  }
0x91: {  	s17 =	sld [smem:$0x3FFB];
	_ =	sdelay $0x3  }
0x92: {  	_ =	strace s17  }
0x93: {  	s2 =	sld [smem:$0x3FFC];
	_ =	sdelay $0x3  }
0x94: {  	_ =	strace s2  }
0x95: {  	s2 =	sld [smem:$0x3FFD];
	_ =	sdelay $0x3  }
0x96: {  	_ =	strace s2  }
0x97: {  	_ =	strace $0x8FFFFFFF  }
0x98: {  	s18 =	sld [smem:$0x3FDB];
	_ =	sdelay $0x1  }
0x99: {  	s19 =	simm.s32 $_scs_section_size  }
0x9a: {  	s4 =	simm.s32 $_size__tile_overlayer_lowered;
	s5 =	simm.s32 $_tile_overlayer_lowered  }
0x9b: {  	s22 =	simm.s32 $0x1BFF;
	s21 =	sshll.u32 s5, $0x1;
	s2 =	sadd.s32 s19, s18  }
0x9c: {  	s6 =	simm.s32 $0x0;
	s20 =	sshll.u32 s4, $0x1;
	s4 =	sadd.s32 s21, s2  }
0x9d: {  	[timem:s6], [sflag:s22] =	dma.local [hbm:s4], s20  }
0x9e: {  	_ =	swait.ge [sflag:s22], s20  }
0x9f: {  	s3 =	ssub.s32 $0x0, s20;
	[sflag:s22] =	ssyncset.done $0x0  }
0xa0: {  	[sflag:s22] =	ssyncadd.s32 s3;
	_ =	sdelay $0x1  }
0xa1: {  	s23 =	simm.s32 $0x1B8B  }
0xa2: {  	_ =	swait.ge [sflag:s23], $0x1  }
0xa3: {  	[sflag:s23] =	ssyncset.done $0x0  }
0xa4: {  	s25 =	simm.s32 $0x1B8E;
	s24 =	sld [smem:$0x3FFE];
	[sflag:s23] =	ssyncadd.s32 $0xFFFFFFFF  }
0xa5: {  	s26 =	simm.s32 $execute0_lowered;
	[smem:$0x3FD2] =	sst s25  }
0xa6: {  	s4 =	sshll.u32 s26, $0x1;
	_ =	strace $0x80000046;
	[dreg:$0x1] =	wrdreg $0xFFFFFFFF  }
0xa7: {  	s28 =	simm.s32 $_size_execute0_lowered;
	s2 =	sadd.s32 s2, s4;
	[dreg:$0x0] =	wrdreg $0x0  }
0xa8: {  	s4 =	sshll.u32 s28, $0x1;
	[dreg:$0x2] =	wrdreg s2  }
0xa9: {  	[dreg:$0x3] =	wrdreg s4  }
0xaa: {  	[dreg:$0x4] =	wrdreg $0xC0  }
0xab: {  	_ =	task [dreg:s6], $0x5FFFF  }
0xac: {  	[dreg:$0x1] =	wrdreg $0xFFFFFFFF  }
0xad: {  	[dreg:$0x0] =	wrdreg $0x60  }
0xae: {  	[dreg:$0x2] =	wrdreg s24  }
0xaf: {  	[dreg:$0x3] =	wrdreg $0x9  }
0xb0: {  	_ =	task.clear_ibuf [dreg:s6], $0x4FFFF;
	_ =	strace $0x90000046  }
0xb1: {  	s29 =	simm.s32 $0x9;
	_ =	strace $0x80000048  }
0xb2: {  	_ =	swait.ge [sflag:s29], $0x1  }
0xb3: {  	[sflag:s29] =	ssyncadd.s32 $0xFFFFFFFF  }
0xb4: {  	_ =	strace $0x90000048  }
0xb5: {  	_ =	sfence  }
0xb6: {  	s30 =	sld [smem:$0x0];
	_ =	sdelay $0x2  }
0xb7: {  	s31 =	sshll.u32 s1, $0xD;
	s1 =	sshrl.u32 s1, $0x2  }
0xb8: {  	s3 =	sand.u32 $0x4000, s31;
	s1 =	sadd.s32 s1, s30  }
0xb9: {  	s0 =	sor.u32 s3, s0;
	s1 =	sshll.u32 s1, $0x11  }
0xba: {  	s0 =	sor.u32 s1, s0  }
0xbb: {  	s0 =	sadd.s32 $0x8F2B, s0  }
0xbc: {  	[sflag:s0] =	ssyncadd.remote.s32 $0x1  }
0xbd: {  	_ =	sfence.sel $0xFFFF  }
0xbe: {  	[dreg:$0x0] =	wrdreg $0xFFFFFFFF;
	(pc) =	sbr.abs _section_cstart, $3  }
0xbf: {  	[dreg:$0x1] =	wrdreg $0xFFFFFFFF  }
0xc0: {  	_ =	task.clear_ibuf [dreg:s6], $0x2FFFF;
	_ =	strace $0x9FFFFFFF  }
0xc1: {  	(tm) =	ssettm $0x7FFFFFFF  }
tec
execute0_lowered:
.L_overlay_start_1:
0x0: {  	(tag) =	ssettag $0x1  }
0x1: {  	s1 =	srdreg.scid  }
0x2: {  	s4 =	sand.u32 $0x1, s1  }
0x3: {  	s5 =	sshll.u32 s4, $0x1;
	s4 =	ssub.s32 $0x2, s4  }
0x4: {  	s3 =	rddreg [dreg:$0x0];
	s31 =	sshrl.u32 s4, $0x1  }
0x5: {  	s0 =	rddreg [dreg:$0x1];
	s4 =	ssub.s32 s4, s31  }
0x6: {  	s1 =	stileid.u32;
	s3 =	sadd.s32 s5, s3;
	s5 =	smax.u32 s4, $0x1  }
0x7: {  	s2 =	simm.s32 $0x0;
	s6 =	sshll.u32 s1, $0x2;
	p0 =	sne.s32 s5, $0x1  }
.Ltmp0:
0x8: {  	[smem:$0x7FF] =	sst s2;
	s3 =	sadd.s32 s6, s3;
	(pc) =	sbr.rel @!p0 .LBB2_2-.Ltmp0, $4  }
0x9: {  	_ =	strace $0x80000047;
	s3 =	sadd.s32 $0x1C00, s3;
	s4 =	simm.s32 $0x1  }
0xa: {  	[hbm4b:s3+s2] =	stream.linear.scatter [tilespmem:s2], [sflag:$0x1], $0x10, $0x38;
	[tilespmem:$0x10] =	vst v63  }
0xb: {  	_ =	swait.ge [sflag:s4], $0x10  }
0xc: {  	s5 =	sadd.s32 $0xFFFFFFFF, s5;
	[sflag:s4] =	ssyncset.done $0x0  }
.LBB2_1:
0xd: {  	p0 =	sne.s32 s5, $0x1;
	s5 =	sadd.s32 $0xFFFFFFFF, s5;
	[sflag:s4] =	ssyncadd.s32 $0xFFFFFFF0  }
.Ltmp1:
0xe: {  	(pc) =	sbr.rel @p0 .LBB2_1-.Ltmp1, $4  }
0xf: {  	_ = 	snop  }
0x10: {  	[hbm4b:s3+s2] =	stream.linear.scatter [tilespmem:s2], [sflag:$0x1], $0x10, $0x38;
	[tilespmem:$0x10] =	vst v63  }
0x11: {  	_ =	swait.ge [sflag:s4], $0x10  }
0x12: {  	[sflag:s4] =	ssyncset.done $0x0  }
.LBB2_2:
0x13: {  	[sflag:s4] =	ssyncadd.s32 $0xFFFFFFF0  }
0x14: {  	_ =	sfence.sel $0x180000  }
0x15: {  	[bflag:$0x0] =	sbarrier.arrive $0xFFFF  }
0x16: {  	p0 =	sne.s32 s1, $0x0;
	_ =	strace $0x90000047  }
0x17: {  	s0 =	sadd.s32 @!p0 $0x100000, s0;
	[bflag:$0x2] =	sbarrier.arrive $0xFFFF  }
0x18: {  	[sflag:s0] =	ssyncadd.tile.s32 @!p0 $0x1;
	_ =	shalt  }
.Lfunc_end2:
_tile_overlayer_lowered:
.L_overlay_start_2:
0x19: {  	(tag) =	ssettag $0x2  }
0x1a: {  	s0 =	rddreg [dreg:$0x0];
	s2 =	stileid.u32  }
0x1b: {  	s1 =	rddreg [dreg:$0x1];
	p0 =	sne.s32 s2, $0x0  }
0x1c: {  	s3 =	rddreg [dreg:$0x2];
	[bflag:$0x3] =	sbarrier.arrive $0xFFFF;
	s2 =	simm.s32 @!p0 $0x1C01  }
0x1d: {  	[timem:s3], [sflag:s2] =	dma.local @!p0 [hbm:s0], s1  }
0x1e: {  	s0 =	simm.s32 @!p0 $0x1  }
0x1f: {  	_ =	swait.ge @!p0 [sflag:s0], s1  }
0x20: {  	s1 =	ssub.s32 @!p0 $0x0, s1;
	[sflag:s0] =	ssyncset.done @!p0 $0x0  }
0x21: {  	[sflag:s0] =	ssyncadd.s32 @!p0 s1  }
0x22: {  	[bflag:$0x3] =	sbarrier.arrive $0xFFFF  }
0x23: {  	_ =	shalt  }

// kernel: kernel.8.cloned.1.call-start
scs
__scs_entry_jumppad:
0x0: {  	(pc) =	sbr.rel $0x88, $3  }
0x1: {  	(tag) =	ssettag $0x0;
	lr =	simm.s32 $0x1  }
0x2: {  	[smem:$0x3F9B] =	sst lr;
	_ =	strace $0xD0000000  }
0x3: {  	_ = 	snop  }
0x4: {  	_ = 	snop  }
0x5: {  	_ = 	snop  }
0x6: {  	_ = 	snop  }
0x7: {  	_ = 	snop  }
__scs_overlays_trampoline_lowered:
0x8: {  	[smem:$0x3FAA] =	sst s0  }
0x9: {  	[smem:$0x3FAB] =	sst s1  }
0xa: {  	[smem:$0x3FAC] =	sst s2  }
0xb: {  	[smem:$0x3FAD] =	sst s3  }
0xc: {  	[smem:$0x3FAE] =	sst s4  }
0xd: {  	[smem:$0x3FAF] =	sst s5  }
0xe: {  	[smem:$0x3FB0] =	sst s6  }
0xf: {  	[smem:$0x3FB1] =	sst s7  }
0x10: {  	[smem:$0x3FB2] =	sst s8  }
0x11: {  	[smem:$0x3FB3] =	sst s9;
	s0 =	simm.s32 @!p0 $0x0  }
0x12: {  	s1 =	sld [smem:$0x3F99];
	s0 =	simm.s32 @p0 $0x1  }
0x13: {  	[smem:$0x3FB4] =	sst s0;
	s0 =	simm.s32 @!p1 $0x0  }
0x14: {  	s2 =	sld [smem:$0x3F98];
	s0 =	simm.s32 @p1 $0x1  }
0x15: {  	[smem:$0x3FB5] =	sst s0;
	s0 =	simm.s32 @!p2 $0x0  }
0x16: {  	s3 =	sld [smem:$0x3FDB];
	s0 =	simm.s32 @p2 $0x1  }
0x17: {  	s4 =	simm.s32 $0x1BF5;
	[smem:$0x3FB7] =	sst s0  }
0x18: {  	s0 =	sld [smem:$0x3F9A];
	_ =	swait.ge [sflag:s4], $0x0  }
0x19: {  	s7 =	sld [smem:$0x3F9B]  }
0x1a: {  	s8 =	sadd.s32 $0xFFFFE003, lr  }
0x1b: {  	s9 =	sadd.s32 $0xFFFFFEF7, lr;
	s5 =	simm.s32 $0xFFFFFFFF;
	p2 =	slt.u32 s8, $0xFFFFF086  }
0x1c: {  	p1 =	slt.u32 s9, $0xF7A;
	s5 =	simm.s32 @!p2 $0x0  }
0x1d: {  	s5 =	simm.s32 @p1 $0x1;
	p0 =	seq.s32 s7, s2  }
0x1e: {  	s7 =	smul.u32 @!p0 $0xF7A, s2;
	p2 =	seq.s32 @!p0 s5, $0x0  }
0x1f: {  	s9 =	smul.u32 $0xF7A, s1;
	s8 =	simm.s32 @!p0 $0x1BF5;
	p2 =	por !p2, p0  }
0x20: {  	[sflag:s8] =	ssyncset.s32 @!p0 $0xFFFFF086;
	s6 =	sadd.s32 @!p0 s3, s7;
	s7 =	simm.s32 @!p0 $0x108  }
0x21: {  	s3 =	sadd.s32 s3, s9;
	s6 =	sadd.s32 @!p0 $0x88, s6;
	s7 =	simm.s32 @p2 $0x1082  }
0x22: {  	[simem:s7], [sflag:s8] =	dma.local @!p0 [hbm:s6], $0xF7A  }
0x23: {  	s9 =	sor.u32 $0xD0000000, s2;
	s6 =	simm.s32 $0x108;
	_ =	swait.ge @!p0 [sflag:s8], $0x0  }
0x24: {  	s3 =	sadd.s32 $0x88, s3;
	s6 =	simm.s32 @!p1 $0x1082;
	[sflag:s4] =	ssyncset.s32 $0xFFFFF086  }
0x25: {  	[simem:s6], [sflag:s4] =	dma.local [hbm:s3], $0xF7A  }
0x26: {  	[smem:$0x3F9B] =	sst s1;
	(tag) =	ssettag s2;
	_ =	strace s9  }
0x27: {  	s1 =	sld [smem:$0x3FAB]  }
0x28: {  	s2 =	sld [smem:$0x3FAC]  }
0x29: {  	s4 =	sld [smem:$0x3FAE]  }
0x2a: {  	p0 =	seq.s32 s5, $0x0;
	s5 =	sld [smem:$0x3FAF]  }
0x2b: {  	s6 =	sld [smem:$0x3FB0]  }
0x2c: {  	s7 =	sld [smem:$0x3FB1]  }
0x2d: {  	s3 =	simm.s32 $0x108;
	s8 =	sld [smem:$0x3FB2]  }
0x2e: {  	s3 =	simm.s32 @!p0 $0x1082;
	s9 =	sld [smem:$0x3FB3]  }
0x2f: {  	lr =	sadd.s32 s0, s3;
	s0 =	sld [smem:$0x3FAA]  }
0x30: {  	s3 =	sld [smem:$0x3FAD]  }
0x31: {  	[smem:$0x3FB6] =	sst s10  }
0x32: {  	s10 =	sld [smem:$0x3FB4];
	_ =	sdelay $0x3  }
0x33: {  	p0 =	seq.s32 s10, $0x1;
	s10 =	sld [smem:$0x3FB6];
	_ =	sdelay $0x3  }
0x34: {  	[smem:$0x3FB6] =	sst s10  }
0x35: {  	s10 =	sld [smem:$0x3FB5];
	_ =	sdelay $0x3  }
0x36: {  	p1 =	seq.s32 s10, $0x1;
	s10 =	sld [smem:$0x3FB6];
	_ =	sdelay $0x3  }
0x37: {  	[smem:$0x3FB6] =	sst s10  }
0x38: {  	s10 =	sld [smem:$0x3FB7]  }
0x39: {  	_ = 	snop;
	(pc) =	sbr.ind lr, $3  }
0x3a: {  	_ = 	snop  }
0x3b: {  	_ = 	snop  }
0x3c: {  	p2 =	seq.s32 s10, $0x1;
	s10 =	sld [smem:$0x3FB6]  }
0x3d: {  	_ =	shalt  }
0x3e: {  	_ =	shalt  }
0x3f: {  	_ =	shalt  }
0x40: {  	_ =	shalt  }
0x41: {  	_ =	shalt  }
0x42: {  	_ =	shalt  }
0x43: {  	_ =	shalt  }
0x44: {  	_ =	shalt  }
0x45: {  	_ =	shalt  }
0x46: {  	_ =	shalt  }
0x47: {  	_ =	shalt  }
0x48: {  	_ =	shalt  }
0x49: {  	_ =	shalt  }
0x4a: {  	_ =	shalt  }
0x4b: {  	_ =	shalt  }
0x4c: {  	_ =	shalt  }
0x4d: {  	_ =	shalt  }
0x4e: {  	_ =	shalt  }
0x4f: {  	_ =	shalt  }
0x50: {  	_ =	shalt  }
0x51: {  	_ =	shalt  }
0x52: {  	_ =	shalt  }
0x53: {  	_ =	shalt  }
0x54: {  	_ =	shalt  }
0x55: {  	_ =	shalt  }
0x56: {  	_ =	shalt  }
0x57: {  	_ =	shalt  }
0x58: {  	_ =	shalt  }
0x59: {  	_ =	shalt  }
0x5a: {  	_ =	shalt  }
0x5b: {  	_ =	shalt  }
0x5c: {  	_ =	shalt  }
0x5d: {  	_ =	shalt  }
0x5e: {  	_ =	shalt  }
0x5f: {  	_ =	shalt  }
0x60: {  	_ =	shalt  }
0x61: {  	_ =	shalt  }
0x62: {  	_ =	shalt  }
0x63: {  	_ =	shalt  }
0x64: {  	_ =	shalt  }
0x65: {  	_ =	shalt  }
0x66: {  	_ =	shalt  }
0x67: {  	_ =	shalt  }
0x68: {  	_ =	shalt  }
0x69: {  	_ =	shalt  }
0x6a: {  	_ =	shalt  }
0x6b: {  	_ =	shalt  }
0x6c: {  	_ =	shalt  }
0x6d: {  	_ =	shalt  }
0x6e: {  	_ =	shalt  }
0x6f: {  	_ =	shalt  }
0x70: {  	_ =	shalt  }
0x71: {  	_ =	shalt  }
0x72: {  	_ =	shalt  }
0x73: {  	_ =	shalt  }
0x74: {  	_ =	shalt  }
0x75: {  	_ =	shalt  }
0x76: {  	_ =	shalt  }
0x77: {  	_ =	shalt  }
0x78: {  	_ =	shalt  }
0x79: {  	_ =	shalt  }
0x7a: {  	_ =	shalt  }
0x7b: {  	_ =	shalt  }
0x7c: {  	_ =	shalt  }
0x7d: {  	_ =	shalt  }
0x7e: {  	_ =	shalt  }
0x7f: {  	_ =	shalt  }
0x80: {  	_ =	shalt  }
0x81: {  	_ =	shalt  }
0x82: {  	_ =	shalt  }
0x83: {  	_ =	shalt  }
0x84: {  	_ =	shalt  }
0x85: {  	_ =	shalt  }
0x86: {  	_ =	shalt  }
0x87: {  	_ =	shalt  }
.Lfunc_end0:
.L_simem_size_0:
called_computation.1_lowered:
.L_overlay_start_0:
0x88: {  	s2 =	sld [smem:$0x3FD9]  }
0x89: {  	s3 =	sld [smem:$0x3FFE];
	_ =	sdelay $0x1  }
0x8a: {  	s1 =	srdreg.scid  }
0x8b: {  	s0 =	sand.u32 $0x1, s1  }
0x8c: {  	s17 =	sshll.u32 s0, $0xA;
	s2 =	sadd.s32 s3, s2  }
0x8d: {  	s2 =	sadd.s32 s2, s17  }
0x8e: {  	[smem:$0x3FC2] =	sst s2  }
0x8f: {  	_ = 	snop  }
0x90: {  	s2 =	sld [smem:$0x3FD0];
	(tm) =	ssettm $0x1  }
0x91: {  	s18 =	sld [smem:$0x3FFB];
	_ =	sdelay $0x3  }
0x92: {  	_ =	strace s18  }
0x93: {  	s3 =	sld [smem:$0x3FFC];
	_ =	sdelay $0x3  }
0x94: {  	_ =	strace s3  }
0x95: {  	s3 =	sld [smem:$0x3FFD];
	_ =	sdelay $0x3  }
0x96: {  	_ =	strace s3  }
0x97: {  	_ =	strace $0x8FFFFFFF  }
0x98: {  	s19 =	sld [smem:$0x3FDB];
	_ =	sdelay $0x1  }
0x99: {  	s4 =	simm.s32 $_scs_section_size  }
0x9a: {  	s5 =	simm.s32 $_size__tile_overlayer_lowered;
	s6 =	simm.s32 $_tile_overlayer_lowered  }
0x9b: {  	s22 =	simm.s32 $0x1BFF;
	s21 =	sshll.u32 s6, $0x1;
	s3 =	sadd.s32 s4, s19  }
0x9c: {  	s7 =	simm.s32 $0x0;
	s20 =	sshll.u32 s5, $0x1;
	s5 =	sadd.s32 s21, s3  }
0x9d: {  	[timem:s7], [sflag:s22] =	dma.local [hbm:s5], s20  }
0x9e: {  	_ =	swait.ge [sflag:s22], s20  }
0x9f: {  	s4 =	ssub.s32 $0x0, s20;
	[sflag:s22] =	ssyncset.done $0x0  }
0xa0: {  	[sflag:s22] =	ssyncadd.s32 s4;
	_ =	sdelay $0x1  }
0xa1: {  	s23 =	simm.s32 $0x1B8B  }
0xa2: {  	_ =	swait.ge [sflag:s23], $0x1  }
0xa3: {  	[sflag:s23] =	ssyncset.done $0x0  }
0xa4: {  	s25 =	simm.s32 $0x1B8E;
	s24 =	sld [smem:$0x3FFE];
	[sflag:s23] =	ssyncadd.s32 $0xFFFFFFFF  }
0xa5: {  	s26 =	simm.s32 $execute0_lowered;
	[smem:$0x3FD2] =	sst s25  }
0xa6: {  	s5 =	sshll.u32 s26, $0x1;
	_ =	strace $0x80000049;
	[dreg:$0x1] =	wrdreg $0xFFFFFFFF  }
0xa7: {  	s28 =	simm.s32 $_size_execute0_lowered;
	s3 =	sadd.s32 s3, s5;
	[dreg:$0x0] =	wrdreg $0x0  }
0xa8: {  	s5 =	sshll.u32 s28, $0x1;
	[dreg:$0x2] =	wrdreg s3  }
0xa9: {  	[dreg:$0x3] =	wrdreg s5  }
0xaa: {  	[dreg:$0x4] =	wrdreg $0xC0  }
0xab: {  	_ =	task [dreg:s7], $0x5FFFF  }
0xac: {  	[dreg:$0x1] =	wrdreg $0xFFFFFFFF  }
0xad: {  	[dreg:$0x0] =	wrdreg $0x60  }
0xae: {  	[dreg:$0x2] =	wrdreg s2  }
0xaf: {  	[dreg:$0x3] =	wrdreg s24  }
0xb0: {  	[dreg:$0x4] =	wrdreg $0x9  }
0xb1: {  	_ =	task.clear_ibuf [dreg:s7], $0x5FFFF;
	_ =	strace $0x90000049  }
0xb2: {  	s29 =	simm.s32 $0x9;
	_ =	strace $0x8000004B  }
0xb3: {  	_ =	swait.ge [sflag:s29], $0x1  }
0xb4: {  	[sflag:s29] =	ssyncadd.s32 $0xFFFFFFFF  }
0xb5: {  	_ =	strace $0x9000004B  }
0xb6: {  	_ =	sfence  }
0xb7: {  	s30 =	sld [smem:$0x0];
	_ =	sdelay $0x2  }
0xb8: {  	s31 =	sshll.u32 s1, $0xD;
	s1 =	sshrl.u32 s1, $0x2  }
0xb9: {  	s3 =	sand.u32 $0x4000, s31;
	s1 =	sadd.s32 s1, s30  }
0xba: {  	s0 =	sor.u32 s3, s0;
	s1 =	sshll.u32 s1, $0x11  }
0xbb: {  	s0 =	sor.u32 s1, s0  }
0xbc: {  	s0 =	sadd.s32 $0x8F2B, s0  }
0xbd: {  	[sflag:s0] =	ssyncadd.remote.s32 $0x1  }
0xbe: {  	_ =	sfence.sel $0xFFFF  }
0xbf: {  	[dreg:$0x0] =	wrdreg $0xFFFFFFFF;
	(pc) =	sbr.abs _section_cstart, $3  }
0xc0: {  	[dreg:$0x1] =	wrdreg $0xFFFFFFFF  }
0xc1: {  	_ =	task.clear_ibuf [dreg:s7], $0x2FFFF;
	_ =	strace $0x9FFFFFFF  }
0xc2: {  	(tm) =	ssettm $0x7FFFFFFF  }
0xc3: {  	_ =	shalt  }
tec
execute0_lowered:
.L_overlay_start_1:
0x0: {  	(tag) =	ssettag $0x1  }
0x1: {  	s1 =	rddreg [dreg:$0x0]  }
0x2: {  	s0 =	rddreg [dreg:$0x1]  }
0x3: {  	s3 =	simm.s32 $0x0;
	s2 =	srdreg.scid;
	s4 =	stileid.u32  }
0x4: {  	s11 =	simm.s32 $0x200;
	s12 =	simm.s32 $0x400;
	s13 =	simm.s32 $0x1  }
0x5: {  	s14 =	simm.s32 $0x2;
	s15 =	simm.s32 $0x3;
	s16 =	simm.s32 $0x80  }
0x6: {  	s21 =	simm.s32 $0x6600;
	s22 =	simm.s32 $0x4;
	s28 =	simm.s32 $0x7028  }
0x7: {  	s29 =	simm.s32 $0x7230;
	s30 =	simm.s32 $0x7438;
	s31 =	simm.s32 $0x7640  }
0x8: {  	s17 =	simm.s32 $0x0;
	[smem:$0x7FF] =	sst s3;
	s2 =	sand.u32 $0x1, s2  }
0x9: {  	s5 =	sshll.u32 s4, $0x7;
	s4 =	sadd.s32 $0x3600, s0;
	s6 =	sshll.u32 s2, $0x6  }
0xa: {  	_ =	strace $0x8000004A;
	s2 =	ssub.s32 $0x2, s2;
	s6 =	sor.u32 s6, s5  }
0xb: {  	s5 =	sadd.s32 $0x5E00, s0;
	s26 =	sshrl.u32 s2, $0x1;
	s0 =	sadd.s32 s6, s0  }
0xc: {  	s2 =	ssub.s32 s2, s26;
	s26 =	simm.s32 $0x6E20;
	s6 =	sadd.s32 $0x1E00, s0  }
0xd: {  	v0 =	vlaneseq.u32;
	s7 =	sadd.s32 $0x2600, s0;
	s8 =	sadd.s32 $0x2E00, s0;
	s9 =	sadd.s32 $0x8600, s0  }
0xe: {  	v0 =	vmul.u32 $0x208, v0;
	s10 =	smax.u32 s2, $0x1;
	s0 =	simm.s32 $0x7848;
	s2 =	simm.s32 $0x5  }
.LBB2_1:
0xf: {  	[tilespmem:s3], [sflag:$0x1] =	stream.linear.gather [hbm4b:s6+s3], $0x200, $0x38;
	[tilespmem:$0x8680] =	vst v63  }
0x10: {  	_ = 	snop  }
0x11: {  	[tilespmem:s11], [sflag:$0x2] =	stream.linear.gather [hbm4b:s7+s3], $0x200, $0x38;
	[tilespmem:$0x8680] =	vst v63  }
0x12: {  	_ = 	snop  }
0x13: {  	[tilespmem:s12], [sflag:$0x3] =	stream.linear.gather [hbm4b:s8+s3], $0x200, $0x38;
	[tilespmem:$0x8680] =	vst v63  }
0x14: {  	_ =	swait.ge [sflag:s13], $0x200  }
0x15: {  	[sflag:s13] =	ssyncset.done $0x0  }
0x16: {  	[sflag:s13] =	ssyncadd.s32 $0xFFFFFE00  }
0x17: {  	_ =	swait.ge [sflag:s14], $0x200  }
0x18: {  	[sflag:s14] =	ssyncset.done $0x0  }
0x19: {  	[sflag:s14] =	ssyncadd.s32 $0xFFFFFE00  }
0x1a: {  	_ =	swait.ge [sflag:s15], $0x200  }
0x1b: {  	[sflag:s15] =	ssyncset.done $0x0  }
0x1c: {  	s18 =	simm.s32 $0x600;
	[sflag:s15] =	ssyncadd.s32 $0xFFFFFE00  }
0x1d: {  	[tilespmem:s18], [sflag:$0x1] =	stream.indirect.gather [hbm4b:s1+s16], $0x10, s3, s16, $0xb8;
	[tilespmem:$0x8680] =	vst v63  }
0x1e: {  	s20 =	simm.s32 $0x2600  }
0x1f: {  	[tilespmem:s20], [sflag:$0x1] =	stream.indirect.gather [hbm4b:s4+s16], $0x10, s11, s16, $0xb8;
	[tilespmem:$0x8680] =	vst v63  }
0x20: {  	s23 =	simm.s32 $0x4600  }
0x21: {  	[tilespmem:s23], [sflag:$0x1] =	stream.indirect.gather [hbm4b:s5+s16], $0x10, s12, s16, $0xb8;
	[tilespmem:$0x8680] =	vst v63  }
0x22: {  	s24 =	simm.s32 $0xE00  }
0x23: {  	[tilespmem:s24], [sflag:$0x2] =	stream.indirect.gather [hbm4b:s1+s16], $0x10, s16, s16, $0xb8;
	[tilespmem:$0x8680] =	vst v63  }
0x24: {  	s25 =	simm.s32 $0x280;
	s19 =	simm.s32 $0x2E00  }
0x25: {  	[tilespmem:s19], [sflag:$0x2] =	stream.indirect.gather [hbm4b:s4+s16], $0x10, s25, s16, $0xb8;
	[tilespmem:$0x8680] =	vst v63  }
0x26: {  	s20 =	simm.s32 $0x480;
	s23 =	simm.s32 $0x4E00  }
0x27: {  	[tilespmem:s23], [sflag:$0x2] =	stream.indirect.gather [hbm4b:s5+s16], $0x10, s20, s16, $0xb8;
	[tilespmem:$0x8680] =	vst v63  }
0x28: {  	s24 =	simm.s32 $0x100;
	s25 =	simm.s32 $0x1600  }
0x29: {  	[tilespmem:s25], [sflag:$0x3] =	stream.indirect.gather [hbm4b:s1+s16], $0x10, s24, s16, $0xb8;
	[tilespmem:$0x8680] =	vst v63  }
0x2a: {  	s20 =	simm.s32 $0x300;
	s23 =	simm.s32 $0x3600  }
0x2b: {  	[tilespmem:s23], [sflag:$0x3] =	stream.indirect.gather [hbm4b:s4+s16], $0x10, s20, s16, $0xb8;
	[tilespmem:$0x8680] =	vst v63  }
0x2c: {  	s24 =	simm.s32 $0x500;
	s25 =	simm.s32 $0x5600  }
0x2d: {  	[tilespmem:s25], [sflag:$0x3] =	stream.indirect.gather [hbm4b:s5+s16], $0x10, s24, s16, $0xb8;
	[tilespmem:$0x8680] =	vst v63  }
0x2e: {  	s20 =	simm.s32 $0x180;
	s23 =	simm.s32 $0x1E00  }
0x2f: {  	[tilespmem:s23], [sflag:$0x4] =	stream.indirect.gather [hbm4b:s1+s16], $0x10, s20, s16, $0xb8;
	[tilespmem:$0x8680] =	vst v63  }
0x30: {  	s24 =	simm.s32 $0x380;
	s25 =	simm.s32 $0x3E00  }
0x31: {  	[tilespmem:s25], [sflag:$0x4] =	stream.indirect.gather [hbm4b:s4+s16], $0x10, s24, s16, $0xb8;
	[tilespmem:$0x8680] =	vst v63  }
0x32: {  	s20 =	simm.s32 $0x580;
	s23 =	simm.s32 $0x5E00  }
0x33: {  	[tilespmem:s23], [sflag:$0x4] =	stream.indirect.gather [hbm4b:s5+s16], $0x10, s20, s16, $0xb8;
	[tilespmem:$0x8680] =	vst v63  }
0x34: {  	_ =	swait.ge [sflag:s13], $0x800  }
0x35: {  	[sflag:s13] =	ssyncset.done $0x0  }
0x36: {  	[sflag:s13] =	ssyncadd.s32 $0xFFFFF800  }
0x37: {  	_ =	swait.ge [sflag:s13], $0x800  }
0x38: {  	[sflag:s13] =	ssyncset.done $0x0  }
0x39: {  	[sflag:s13] =	ssyncadd.s32 $0xFFFFF800  }
0x3a: {  	_ =	swait.ge [sflag:s13], $0x800  }
0x3b: {  	[sflag:s13] =	ssyncset.done $0x0  }
0x3c: {  	s18 =	simm.s32 $0x2620;
	[sflag:s13] =	ssyncadd.s32 $0xFFFFF800  }
0x3d: {  	s19 =	simm.s32 $0x620;
	v1 =	vld [tilespmem:s18+$0xFFFFFFE0]  }
0x3e: {  	v2 =	vld [tilespmem:s19+$0xFFFFFFE0]  }
0x3f: {  	s20 =	simm.s32 $0x4620  }
0x40: {  	v4 =	vmov s3;
	v3 =	vld [tilespmem:s20+$0xFFFFFFE0]  }
0x41: {  	v4 =	vand.u32 $0x7C, v4  }
0x42: {  	v4 =	vadd.s32 v0, v4  }
0x43: {  	v1 =	vadd.f32 v1, v2;
	_ =	sdelay $0x1  }
0x44: {  	v1 =	vadd.f32 v3, v1;
	_ =	sdelay $0x1  }
0x45: {  	[tilespmem:v4+s21+$0x0] =	vst.idx.msk $0xffff, v1  }
0x46: {  	v1 =	vld [tilespmem:s19+$0xFFFFFFF0]  }
0x47: {  	v2 =	vld [tilespmem:s18+$0xFFFFFFF0]  }
0x48: {  	s23 =	simm.s32 $0x1  }
0x49: {  	v4 =	vmov s23;
	v3 =	vld [tilespmem:s20+$0xFFFFFFF0]  }
0x4a: {  	v4 =	vand.u32 $0x7D, v4  }
0x4b: {  	v4 =	vadd.s32 v0, v4  }
0x4c: {  	v1 =	vadd.f32 v2, v1;
	_ =	sdelay $0x1  }
0x4d: {  	v1 =	vadd.f32 v3, v1;
	_ =	sdelay $0x1  }
0x4e: {  	[tilespmem:v4+s21+$0x0] =	vst.idx.msk $0xffff, v1  }
0x4f: {  	v1 =	vld [tilespmem:s19+$0x0]  }
0x50: {  	v2 =	vld [tilespmem:s18+$0x0]  }
0x51: {  	s24 =	simm.s32 $0x2  }
0x52: {  	v4 =	vmov s24;
	v3 =	vld [tilespmem:s20+$0x0]  }
0x53: {  	v4 =	vand.u32 $0x7E, v4  }
0x54: {  	v4 =	vadd.s32 v0, v4  }
0x55: {  	v1 =	vadd.f32 v2, v1;
	_ =	sdelay $0x1  }
0x56: {  	v1 =	vadd.f32 v3, v1;
	_ =	sdelay $0x1  }
0x57: {  	[tilespmem:v4+s21+$0x0] =	vst.idx.msk $0xffff, v1  }
0x58: {  	v1 =	vld [tilespmem:s19+$0x10]  }
0x59: {  	s25 =	simm.s32 $0x3;
	v4 =	vld [tilespmem:s18+$0x10]  }
0x5a: {  	v2 =	vmov s25  }
0x5b: {  	v3 =	vand.u32 $0x7F, v2;
	v2 =	vld [tilespmem:s20+$0x10]  }
0x5c: {  	s23 =	simm.s32 $0x4;
	v3 =	vadd.s32 v0, v3  }
.LBB2_2:
0x5d: {  	_ = 	snop  }
0x5e: {  	s19 =	sadd.s32 $0x40, s19;
	s18 =	sadd.s32 $0x40, s18;
	s20 =	sadd.s32 $0x40, s20;
	v1 =	vadd.f32 v4, v1  }
0x5f: {  	p0 =	sne.s32 s23, $0x7C;
	s24 =	smov.u32 s23;
	s23 =	sadd.s32 $0x4, s23  }
0x60: {  	v1 =	vadd.f32 v2, v1;
	_ =	sdelay $0x1  }
0x61: {  	[tilespmem:v3+s21+$0x0] =	vst.idx.msk $0xffff, v1  }
0x62: {  	v1 =	vld [tilespmem:s18+$0xFFFFFFE0]  }
0x63: {  	v2 =	vld [tilespmem:s19+$0xFFFFFFE0];
	_ =	sdelay $0x1  }
0x64: {  	v4 =	vmov s24;
	v3 =	vld [tilespmem:s20+$0xFFFFFFE0]  }
0x65: {  	v4 =	vand.u32 $0x7C, v4  }
0x66: {  	v4 =	vadd.s32 v0, v4  }
0x67: {  	v1 =	vadd.f32 v1, v2;
	_ =	sdelay $0x1  }
0x68: {  	v1 =	vadd.f32 v3, v1;
	_ =	sdelay $0x1  }
0x69: {  	[tilespmem:v4+s21+$0x0] =	vst.idx.msk $0xffff, v1  }
0x6a: {  	v1 =	vld [tilespmem:s19+$0xFFFFFFF0]  }
0x6b: {  	v2 =	vld [tilespmem:s18+$0xFFFFFFF0]  }
0x6c: {  	s25 =	sadd.s32 $0x1, s24  }
0x6d: {  	v4 =	vmov s25;
	v3 =	vld [tilespmem:s20+$0xFFFFFFF0]  }
0x6e: {  	v4 =	vand.u32 $0x7D, v4  }
0x6f: {  	v4 =	vadd.s32 v0, v4  }
0x70: {  	v1 =	vadd.f32 v2, v1;
	_ =	sdelay $0x1  }
0x71: {  	v1 =	vadd.f32 v3, v1;
	_ =	sdelay $0x1  }
0x72: {  	[tilespmem:v4+s21+$0x0] =	vst.idx.msk $0xffff, v1  }
0x73: {  	v1 =	vld [tilespmem:s19+$0x0]  }
0x74: {  	v2 =	vld [tilespmem:s18+$0x0]  }
0x75: {  	s25 =	sadd.s32 $0x2, s24  }
0x76: {  	v4 =	vmov s25;
	v3 =	vld [tilespmem:s20+$0x0]  }
0x77: {  	v4 =	vand.u32 $0x7E, v4  }
0x78: {  	v4 =	vadd.s32 v0, v4  }
0x79: {  	v1 =	vadd.f32 v2, v1;
	_ =	sdelay $0x1  }
0x7a: {  	v1 =	vadd.f32 v3, v1;
	_ =	sdelay $0x1  }
0x7b: {  	[tilespmem:v4+s21+$0x0] =	vst.idx.msk $0xffff, v1  }
.Ltmp0:
0x7c: {  	v1 =	vld [tilespmem:s19+$0x10];
	(pc) =	sbr.rel @p0 .LBB2_2-.Ltmp0, $4  }
0x7d: {  	s24 =	sadd.s32 $0x3, s24;
	v4 =	vld [tilespmem:s18+$0x10]  }
0x7e: {  	v3 =	vmov s24;
	v2 =	vld [tilespmem:s20+$0x10]  }
0x7f: {  	v3 =	vand.u32 $0x7F, v3  }
0x80: {  	v3 =	vadd.s32 v0, v3  }
0x81: {  	_ = 	snop  }
0x82: {  	v1 =	vadd.f32 v4, v1;
	_ =	sdelay $0x1  }
0x83: {  	v1 =	vadd.f32 v2, v1;
	_ =	sdelay $0x1  }
0x84: {  	[tilespmem:v3+s21+$0x0] =	vst.idx.msk $0xffff, v1  }
0x85: {  	_ =	swait.ge [sflag:s14], $0x800  }
0x86: {  	[sflag:s14] =	ssyncset.done $0x0  }
0x87: {  	[sflag:s14] =	ssyncadd.s32 $0xFFFFF800  }
0x88: {  	_ =	swait.ge [sflag:s14], $0x800  }
0x89: {  	[sflag:s14] =	ssyncset.done $0x0  }
0x8a: {  	[sflag:s14] =	ssyncadd.s32 $0xFFFFF800  }
0x8b: {  	_ =	swait.ge [sflag:s14], $0x800  }
0x8c: {  	[sflag:s14] =	ssyncset.done $0x0  }
0x8d: {  	s18 =	simm.s32 $0xE30;
	[sflag:s14] =	ssyncadd.s32 $0xFFFFF800  }
0x8e: {  	s19 =	simm.s32 $0x2E30;
	v1 =	vld [tilespmem:s18+$0xFFFFFFD0]  }
0x8f: {  	v2 =	vld [tilespmem:s19+$0xFFFFFFD0]  }
0x90: {  	s20 =	simm.s32 $0x4E30;
	s23 =	simm.s32 $0x80  }
0x91: {  	v4 =	vmov s23;
	v3 =	vld [tilespmem:s20+$0xFFFFFFD0]  }
0x92: {  	v4 =	vand.u32 $0xFC, v4  }
0x93: {  	v4 =	vadd.s32 v0, v4  }
0x94: {  	v1 =	vadd.f32 v2, v1;
	_ =	sdelay $0x1  }
0x95: {  	v1 =	vadd.f32 v3, v1;
	_ =	sdelay $0x1  }
0x96: {  	[tilespmem:v4+s21+$0x0] =	vst.idx.msk $0xffff, v1  }
0x97: {  	v1 =	vld [tilespmem:s18+$0xFFFFFFE0]  }
0x98: {  	v2 =	vld [tilespmem:s19+$0xFFFFFFE0]  }
0x99: {  	s25 =	simm.s32 $0x81  }
0x9a: {  	v4 =	vmov s25;
	v3 =	vld [tilespmem:s20+$0xFFFFFFE0]  }
0x9b: {  	v4 =	vand.u32 $0xFD, v4  }
0x9c: {  	v4 =	vadd.s32 v0, v4  }
0x9d: {  	v1 =	vadd.f32 v2, v1;
	_ =	sdelay $0x1  }
0x9e: {  	v1 =	vadd.f32 v3, v1;
	_ =	sdelay $0x1  }
0x9f: {  	[tilespmem:v4+s21+$0x0] =	vst.idx.msk $0xffff, v1  }
0xa0: {  	v1 =	vld [tilespmem:s18+$0xFFFFFFF0]  }
0xa1: {  	v2 =	vld [tilespmem:s19+$0xFFFFFFF0]  }
0xa2: {  	s24 =	simm.s32 $0x82  }
0xa3: {  	v4 =	vmov s24;
	v3 =	vld [tilespmem:s20+$0xFFFFFFF0]  }
0xa4: {  	v4 =	vand.u32 $0xFE, v4  }
0xa5: {  	v4 =	vadd.s32 v0, v4  }
0xa6: {  	v1 =	vadd.f32 v2, v1;
	_ =	sdelay $0x1  }
0xa7: {  	v1 =	vadd.f32 v3, v1;
	_ =	sdelay $0x1  }
0xa8: {  	[tilespmem:v4+s21+$0x0] =	vst.idx.msk $0xffff, v1  }
0xa9: {  	v2 =	vld [tilespmem:s18+$0x0]  }
0xaa: {  	s25 =	simm.s32 $0x83;
	v4 =	vld [tilespmem:s19+$0x0]  }
0xab: {  	v1 =	vmov s25  }
0xac: {  	v3 =	vand.u32 $0xFF, v1;
	v1 =	vld [tilespmem:s20+$0x0]  }
0xad: {  	s23 =	simm.s32 $0x87;
	v3 =	vadd.s32 v0, v3  }
.LBB2_4:
0xae: {  	_ = 	snop  }
0xaf: {  	s18 =	sadd.s32 $0x40, s18;
	s19 =	sadd.s32 $0x40, s19;
	s20 =	sadd.s32 $0x40, s20;
	v2 =	vadd.f32 v4, v2  }
0xb0: {  	p0 =	sne.s32 s23, $0xFF;
	s24 =	smov.u32 s23;
	s23 =	sadd.s32 $0x4, s23  }
0xb1: {  	v1 =	vadd.f32 v1, v2;
	_ =	sdelay $0x1  }
0xb2: {  	[tilespmem:v3+s21+$0x0] =	vst.idx.msk $0xffff, v1  }
0xb3: {  	v1 =	vld [tilespmem:s18+$0xFFFFFFD0]  }
0xb4: {  	v2 =	vld [tilespmem:s19+$0xFFFFFFD0]  }
0xb5: {  	s25 =	sadd.s32 $0xFFFFFFFD, s24  }
0xb6: {  	v4 =	vmov s25;
	v3 =	vld [tilespmem:s20+$0xFFFFFFD0]  }
0xb7: {  	v4 =	vand.u32 $0xFC, v4  }
0xb8: {  	v4 =	vadd.s32 v0, v4  }
0xb9: {  	v1 =	vadd.f32 v2, v1;
	_ =	sdelay $0x1  }
0xba: {  	v1 =	vadd.f32 v3, v1;
	_ =	sdelay $0x1  }
0xbb: {  	[tilespmem:v4+s21+$0x0] =	vst.idx.msk $0xffff, v1  }
0xbc: {  	v1 =	vld [tilespmem:s18+$0xFFFFFFE0]  }
0xbd: {  	v2 =	vld [tilespmem:s19+$0xFFFFFFE0]  }
0xbe: {  	s25 =	sadd.s32 $0xFFFFFFFE, s24  }
0xbf: {  	v4 =	vmov s25;
	v3 =	vld [tilespmem:s20+$0xFFFFFFE0]  }
0xc0: {  	v4 =	vand.u32 $0xFD, v4  }
0xc1: {  	v4 =	vadd.s32 v0, v4  }
0xc2: {  	v1 =	vadd.f32 v2, v1;
	_ =	sdelay $0x1  }
0xc3: {  	v1 =	vadd.f32 v3, v1;
	_ =	sdelay $0x1  }
0xc4: {  	[tilespmem:v4+s21+$0x0] =	vst.idx.msk $0xffff, v1  }
0xc5: {  	v1 =	vld [tilespmem:s18+$0xFFFFFFF0]  }
0xc6: {  	v2 =	vld [tilespmem:s19+$0xFFFFFFF0]  }
0xc7: {  	s25 =	sadd.s32 $0xFFFFFFFF, s24  }
0xc8: {  	v4 =	vmov s25;
	v3 =	vld [tilespmem:s20+$0xFFFFFFF0]  }
0xc9: {  	v4 =	vand.u32 $0xFE, v4  }
0xca: {  	v4 =	vadd.s32 v0, v4  }
0xcb: {  	v1 =	vadd.f32 v2, v1;
	_ =	sdelay $0x1  }
0xcc: {  	v1 =	vadd.f32 v3, v1;
	_ =	sdelay $0x1  }
0xcd: {  	[tilespmem:v4+s21+$0x0] =	vst.idx.msk $0xffff, v1  }
.Ltmp1:
0xce: {  	v2 =	vld [tilespmem:s18+$0x0];
	(pc) =	sbr.rel @p0 .LBB2_4-.Ltmp1, $4  }
0xcf: {  	v4 =	vld [tilespmem:s19+$0x0]  }
0xd0: {  	v3 =	vmov s24;
	v1 =	vld [tilespmem:s20+$0x0]  }
0xd1: {  	v3 =	vand.u32 $0xFF, v3  }
0xd2: {  	v3 =	vadd.s32 v0, v3  }
0xd3: {  	_ = 	snop  }
0xd4: {  	v2 =	vadd.f32 v4, v2;
	_ =	sdelay $0x1  }
0xd5: {  	v1 =	vadd.f32 v1, v2;
	_ =	sdelay $0x1  }
0xd6: {  	[tilespmem:v3+s21+$0x0] =	vst.idx.msk $0xffff, v1  }
0xd7: {  	_ =	swait.ge [sflag:s15], $0x800  }
0xd8: {  	[sflag:s15] =	ssyncset.done $0x0  }
0xd9: {  	[sflag:s15] =	ssyncadd.s32 $0xFFFFF800  }
0xda: {  	_ =	swait.ge [sflag:s15], $0x800  }
0xdb: {  	[sflag:s15] =	ssyncset.done $0x0  }
0xdc: {  	[sflag:s15] =	ssyncadd.s32 $0xFFFFF800  }
0xdd: {  	_ =	swait.ge [sflag:s15], $0x800  }
0xde: {  	[sflag:s15] =	ssyncset.done $0x0  }
0xdf: {  	s18 =	simm.s32 $0x1630;
	[sflag:s15] =	ssyncadd.s32 $0xFFFFF800  }
0xe0: {  	s19 =	simm.s32 $0x3630;
	v1 =	vld [tilespmem:s18+$0xFFFFFFD0]  }
0xe1: {  	v2 =	vld [tilespmem:s19+$0xFFFFFFD0]  }
0xe2: {  	s20 =	simm.s32 $0x5630;
	s23 =	simm.s32 $0x100  }
0xe3: {  	v4 =	vmov s23;
	v3 =	vld [tilespmem:s20+$0xFFFFFFD0]  }
0xe4: {  	v4 =	vand.u32 $0x1FC, v4  }
0xe5: {  	v4 =	vadd.s32 v0, v4  }
0xe6: {  	v1 =	vadd.f32 v2, v1;
	_ =	sdelay $0x1  }
0xe7: {  	v1 =	vadd.f32 v3, v1;
	_ =	sdelay $0x1  }
0xe8: {  	[tilespmem:v4+s21+$0x0] =	vst.idx.msk $0xffff, v1  }
0xe9: {  	v1 =	vld [tilespmem:s18+$0xFFFFFFE0]  }
0xea: {  	v2 =	vld [tilespmem:s19+$0xFFFFFFE0]  }
0xeb: {  	s25 =	simm.s32 $0x101  }
0xec: {  	v4 =	vmov s25;
	v3 =	vld [tilespmem:s20+$0xFFFFFFE0]  }
0xed: {  	v4 =	vand.u32 $0x1FD, v4  }
0xee: {  	v4 =	vadd.s32 v0, v4  }
0xef: {  	v1 =	vadd.f32 v2, v1;
	_ =	sdelay $0x1  }
0xf0: {  	v1 =	vadd.f32 v3, v1;
	_ =	sdelay $0x1  }
0xf1: {  	[tilespmem:v4+s21+$0x0] =	vst.idx.msk $0xffff, v1  }
0xf2: {  	v1 =	vld [tilespmem:s18+$0xFFFFFFF0]  }
0xf3: {  	v2 =	vld [tilespmem:s19+$0xFFFFFFF0]  }
0xf4: {  	s24 =	simm.s32 $0x102  }
0xf5: {  	v4 =	vmov s24;
	v3 =	vld [tilespmem:s20+$0xFFFFFFF0]  }
0xf6: {  	v4 =	vand.u32 $0x1FE, v4  }
0xf7: {  	v4 =	vadd.s32 v0, v4  }
0xf8: {  	v1 =	vadd.f32 v2, v1;
	_ =	sdelay $0x1  }
0xf9: {  	v1 =	vadd.f32 v3, v1;
	_ =	sdelay $0x1  }
0xfa: {  	[tilespmem:v4+s21+$0x0] =	vst.idx.msk $0xffff, v1  }
0xfb: {  	v2 =	vld [tilespmem:s18+$0x0]  }
0xfc: {  	s25 =	simm.s32 $0x103;
	v4 =	vld [tilespmem:s19+$0x0]  }
0xfd: {  	v1 =	vmov s25  }
0xfe: {  	v3 =	vand.u32 $0x1FF, v1;
	v1 =	vld [tilespmem:s20+$0x0]  }
0xff: {  	s23 =	simm.s32 $0x107;
	v3 =	vadd.s32 v0, v3  }
.LBB2_6:
0x100: {  	_ = 	snop  }
0x101: {  	s18 =	sadd.s32 $0x40, s18;
	s19 =	sadd.s32 $0x40, s19;
	s20 =	sadd.s32 $0x40, s20;
	v2 =	vadd.f32 v4, v2  }
0x102: {  	p0 =	sne.s32 s23, $0x17F;
	s24 =	smov.u32 s23;
	s23 =	sadd.s32 $0x4, s23  }
0x103: {  	v1 =	vadd.f32 v1, v2;
	_ =	sdelay $0x1  }
0x104: {  	[tilespmem:v3+s21+$0x0] =	vst.idx.msk $0xffff, v1  }
0x105: {  	v1 =	vld [tilespmem:s18+$0xFFFFFFD0]  }
0x106: {  	v2 =	vld [tilespmem:s19+$0xFFFFFFD0]  }
0x107: {  	s25 =	sadd.s32 $0xFFFFFFFD, s24  }
0x108: {  	v4 =	vmov s25;
	v3 =	vld [tilespmem:s20+$0xFFFFFFD0]  }
0x109: {  	v4 =	vand.u32 $0x1FC, v4  }
0x10a: {  	v4 =	vadd.s32 v0, v4  }
0x10b: {  	v1 =	vadd.f32 v2, v1;
	_ =	sdelay $0x1  }
0x10c: {  	v1 =	vadd.f32 v3, v1;
	_ =	sdelay $0x1  }
0x10d: {  	[tilespmem:v4+s21+$0x0] =	vst.idx.msk $0xffff, v1  }
0x10e: {  	v1 =	vld [tilespmem:s18+$0xFFFFFFE0]  }
0x10f: {  	v2 =	vld [tilespmem:s19+$0xFFFFFFE0]  }
0x110: {  	s25 =	sadd.s32 $0xFFFFFFFE, s24  }
0x111: {  	v4 =	vmov s25;
	v3 =	vld [tilespmem:s20+$0xFFFFFFE0]  }
0x112: {  	v4 =	vand.u32 $0x1FD, v4  }
0x113: {  	v4 =	vadd.s32 v0, v4  }
0x114: {  	v1 =	vadd.f32 v2, v1;
	_ =	sdelay $0x1  }
0x115: {  	v1 =	vadd.f32 v3, v1;
	_ =	sdelay $0x1  }
0x116: {  	[tilespmem:v4+s21+$0x0] =	vst.idx.msk $0xffff, v1  }
0x117: {  	v1 =	vld [tilespmem:s18+$0xFFFFFFF0]  }
0x118: {  	v2 =	vld [tilespmem:s19+$0xFFFFFFF0]  }
0x119: {  	s25 =	sadd.s32 $0xFFFFFFFF, s24  }
0x11a: {  	v4 =	vmov s25;
	v3 =	vld [tilespmem:s20+$0xFFFFFFF0]  }
0x11b: {  	v4 =	vand.u32 $0x1FE, v4  }
0x11c: {  	v4 =	vadd.s32 v0, v4  }
0x11d: {  	v1 =	vadd.f32 v2, v1;
	_ =	sdelay $0x1  }
0x11e: {  	v1 =	vadd.f32 v3, v1;
	_ =	sdelay $0x1  }
0x11f: {  	[tilespmem:v4+s21+$0x0] =	vst.idx.msk $0xffff, v1  }
.Ltmp2:
0x120: {  	v2 =	vld [tilespmem:s18+$0x0];
	(pc) =	sbr.rel @p0 .LBB2_6-.Ltmp2, $4  }
0x121: {  	v4 =	vld [tilespmem:s19+$0x0]  }
0x122: {  	v3 =	vmov s24;
	v1 =	vld [tilespmem:s20+$0x0]  }
0x123: {  	v3 =	vand.u32 $0x1FF, v3  }
0x124: {  	v3 =	vadd.s32 v0, v3  }
0x125: {  	_ = 	snop  }
0x126: {  	v2 =	vadd.f32 v4, v2;
	_ =	sdelay $0x1  }
0x127: {  	v1 =	vadd.f32 v1, v2;
	_ =	sdelay $0x1  }
0x128: {  	[tilespmem:v3+s21+$0x0] =	vst.idx.msk $0xffff, v1  }
0x129: {  	_ =	swait.ge [sflag:s22], $0x800  }
0x12a: {  	[sflag:s22] =	ssyncset.done $0x0  }
0x12b: {  	[sflag:s22] =	ssyncadd.s32 $0xFFFFF800  }
0x12c: {  	_ =	swait.ge [sflag:s22], $0x800  }
0x12d: {  	[sflag:s22] =	ssyncset.done $0x0  }
0x12e: {  	[sflag:s22] =	ssyncadd.s32 $0xFFFFF800  }
0x12f: {  	_ =	swait.ge [sflag:s22], $0x800  }
0x130: {  	[sflag:s22] =	ssyncset.done $0x0  }
0x131: {  	s18 =	simm.s32 $0x1E30;
	[sflag:s22] =	ssyncadd.s32 $0xFFFFF800  }
0x132: {  	s19 =	simm.s32 $0x3E30;
	v1 =	vld [tilespmem:s18+$0xFFFFFFD0]  }
0x133: {  	v2 =	vld [tilespmem:s19+$0xFFFFFFD0]  }
0x134: {  	s20 =	simm.s32 $0x5E30;
	s23 =	simm.s32 $0x180  }
0x135: {  	v4 =	vmov s23;
	v3 =	vld [tilespmem:s20+$0xFFFFFFD0]  }
0x136: {  	v4 =	vand.u32 $0x1FC, v4  }
0x137: {  	v4 =	vadd.s32 v0, v4  }
0x138: {  	v1 =	vadd.f32 v2, v1;
	_ =	sdelay $0x1  }
0x139: {  	v1 =	vadd.f32 v3, v1;
	_ =	sdelay $0x1  }
0x13a: {  	[tilespmem:v4+s21+$0x0] =	vst.idx.msk $0xffff, v1  }
0x13b: {  	v1 =	vld [tilespmem:s18+$0xFFFFFFE0]  }
0x13c: {  	v2 =	vld [tilespmem:s19+$0xFFFFFFE0]  }
0x13d: {  	s25 =	simm.s32 $0x181  }
0x13e: {  	v4 =	vmov s25;
	v3 =	vld [tilespmem:s20+$0xFFFFFFE0]  }
0x13f: {  	v4 =	vand.u32 $0x1FD, v4  }
0x140: {  	v4 =	vadd.s32 v0, v4  }
0x141: {  	v1 =	vadd.f32 v2, v1;
	_ =	sdelay $0x1  }
0x142: {  	v1 =	vadd.f32 v3, v1;
	_ =	sdelay $0x1  }
0x143: {  	[tilespmem:v4+s21+$0x0] =	vst.idx.msk $0xffff, v1  }
0x144: {  	v1 =	vld [tilespmem:s18+$0xFFFFFFF0]  }
0x145: {  	v2 =	vld [tilespmem:s19+$0xFFFFFFF0]  }
0x146: {  	s24 =	simm.s32 $0x182  }
0x147: {  	v4 =	vmov s24;
	v3 =	vld [tilespmem:s20+$0xFFFFFFF0]  }
0x148: {  	v4 =	vand.u32 $0x1FE, v4  }
0x149: {  	v4 =	vadd.s32 v0, v4  }
0x14a: {  	v1 =	vadd.f32 v2, v1;
	_ =	sdelay $0x1  }
0x14b: {  	v1 =	vadd.f32 v3, v1;
	_ =	sdelay $0x1  }
0x14c: {  	[tilespmem:v4+s21+$0x0] =	vst.idx.msk $0xffff, v1  }
0x14d: {  	v2 =	vld [tilespmem:s18+$0x0]  }
0x14e: {  	s25 =	simm.s32 $0x183;
	v4 =	vld [tilespmem:s19+$0x0]  }
0x14f: {  	v1 =	vmov s25  }
0x150: {  	v3 =	vand.u32 $0x1FF, v1;
	v1 =	vld [tilespmem:s20+$0x0]  }
0x151: {  	s23 =	simm.s32 $0x187;
	v3 =	vadd.s32 v0, v3  }
.LBB2_8:
0x152: {  	_ = 	snop  }
0x153: {  	s18 =	sadd.s32 $0x40, s18;
	s19 =	sadd.s32 $0x40, s19;
	s20 =	sadd.s32 $0x40, s20;
	v2 =	vadd.f32 v4, v2  }
0x154: {  	p0 =	sne.s32 s23, $0x1FF;
	s24 =	smov.u32 s23;
	s23 =	sadd.s32 $0x4, s23  }
0x155: {  	v1 =	vadd.f32 v1, v2;
	_ =	sdelay $0x1  }
0x156: {  	[tilespmem:v3+s21+$0x0] =	vst.idx.msk $0xffff, v1  }
0x157: {  	v1 =	vld [tilespmem:s18+$0xFFFFFFD0]  }
0x158: {  	v2 =	vld [tilespmem:s19+$0xFFFFFFD0]  }
0x159: {  	s25 =	sadd.s32 $0xFFFFFFFD, s24  }
0x15a: {  	v4 =	vmov s25;
	v3 =	vld [tilespmem:s20+$0xFFFFFFD0]  }
0x15b: {  	v4 =	vand.u32 $0x1FC, v4  }
0x15c: {  	v4 =	vadd.s32 v0, v4  }
0x15d: {  	v1 =	vadd.f32 v2, v1;
	_ =	sdelay $0x1  }
0x15e: {  	v1 =	vadd.f32 v3, v1;
	_ =	sdelay $0x1  }
0x15f: {  	[tilespmem:v4+s21+$0x0] =	vst.idx.msk $0xffff, v1  }
0x160: {  	v1 =	vld [tilespmem:s18+$0xFFFFFFE0]  }
0x161: {  	v2 =	vld [tilespmem:s19+$0xFFFFFFE0]  }
0x162: {  	s25 =	sadd.s32 $0xFFFFFFFE, s24  }
0x163: {  	v4 =	vmov s25;
	v3 =	vld [tilespmem:s20+$0xFFFFFFE0]  }
0x164: {  	v4 =	vand.u32 $0x1FD, v4  }
0x165: {  	v4 =	vadd.s32 v0, v4  }
0x166: {  	v1 =	vadd.f32 v2, v1;
	_ =	sdelay $0x1  }
0x167: {  	v1 =	vadd.f32 v3, v1;
	_ =	sdelay $0x1  }
0x168: {  	[tilespmem:v4+s21+$0x0] =	vst.idx.msk $0xffff, v1  }
0x169: {  	v1 =	vld [tilespmem:s18+$0xFFFFFFF0]  }
0x16a: {  	v2 =	vld [tilespmem:s19+$0xFFFFFFF0]  }
0x16b: {  	s25 =	sadd.s32 $0xFFFFFFFF, s24  }
0x16c: {  	v4 =	vmov s25;
	v3 =	vld [tilespmem:s20+$0xFFFFFFF0]  }
0x16d: {  	v4 =	vand.u32 $0x1FE, v4  }
0x16e: {  	v4 =	vadd.s32 v0, v4  }
0x16f: {  	v1 =	vadd.f32 v2, v1;
	_ =	sdelay $0x1  }
0x170: {  	v1 =	vadd.f32 v3, v1;
	_ =	sdelay $0x1  }
0x171: {  	[tilespmem:v4+s21+$0x0] =	vst.idx.msk $0xffff, v1  }
.Ltmp3:
0x172: {  	v2 =	vld [tilespmem:s18+$0x0];
	(pc) =	sbr.rel @p0 .LBB2_8-.Ltmp3, $4  }
0x173: {  	v4 =	vld [tilespmem:s19+$0x0]  }
0x174: {  	v3 =	vmov s24;
	v1 =	vld [tilespmem:s20+$0x0]  }
0x175: {  	v3 =	vand.u32 $0x1FF, v3  }
0x176: {  	v3 =	vadd.s32 v0, v3  }
0x177: {  	_ = 	snop  }
0x178: {  	v2 =	vadd.f32 v4, v2;
	_ =	sdelay $0x1  }
0x179: {  	v1 =	vadd.f32 v1, v2;
	_ =	sdelay $0x1  }
0x17a: {  	[tilespmem:v3+s21+$0x0] =	vst.idx.msk $0xffff, v1  }
0x17b: {  	[hbm4b:s9+s3] =	stream.linear.scatter [tilespmem:s21], [sflag:$0x5], $0x200, $0x38;
	[tilespmem:$0x8680] =	vst v63  }
0x17c: {  	s18 =	sadd.s32 $0x800, s9;
	s19 =	simm.s32 $0x6808  }
0x17d: {  	[hbm4b:s18+s3] =	stream.linear.scatter [tilespmem:s19], [sflag:$0x5], $0x200, $0x38;
	[tilespmem:$0x8680] =	vst v63  }
0x17e: {  	s20 =	simm.s32 $0x6A10;
	s19 =	sadd.s32 $0x1000, s9  }
0x17f: {  	[hbm4b:s19+s3] =	stream.linear.scatter [tilespmem:s20], [sflag:$0x5], $0x200, $0x38;
	[tilespmem:$0x8680] =	vst v63  }
0x180: {  	s23 =	sadd.s32 $0x1800, s9;
	s24 =	simm.s32 $0x6C18  }
0x181: {  	[hbm4b:s23+s3] =	stream.linear.scatter [tilespmem:s24], [sflag:$0x5], $0x200, $0x38;
	[tilespmem:$0x8680] =	vst v63  }
0x182: {  	s25 =	sadd.s32 $0x2000, s9  }
0x183: {  	[hbm4b:s25+s3] =	stream.linear.scatter [tilespmem:s26], [sflag:$0x5], $0x200, $0x38;
	[tilespmem:$0x8680] =	vst v63  }
0x184: {  	s19 =	sadd.s32 $0x2800, s9  }
0x185: {  	[hbm4b:s19+s3] =	stream.linear.scatter [tilespmem:s28], [sflag:$0x5], $0x200, $0x38;
	[tilespmem:$0x8680] =	vst v63  }
0x186: {  	s20 =	sadd.s32 $0x3000, s9  }
0x187: {  	[hbm4b:s20+s3] =	stream.linear.scatter [tilespmem:s29], [sflag:$0x5], $0x200, $0x38;
	[tilespmem:$0x8680] =	vst v63  }
0x188: {  	s17 =	sadd.s32 $0x1, s17;
	s23 =	sadd.s32 $0x3800, s9  }
0x189: {  	[hbm4b:s23+s3] =	stream.linear.scatter [tilespmem:s30], [sflag:$0x5], $0x200, $0x38;
	[tilespmem:$0x8680] =	vst v63  }
0x18a: {  	p0 =	sne.s32 s17, s10;
	s24 =	sadd.s32 $0x4000, s9  }
0x18b: {  	[hbm4b:s24+s3] =	stream.linear.scatter [tilespmem:s31], [sflag:$0x5], $0x200, $0x38;
	[tilespmem:$0x8680] =	vst v63  }
.Ltmp4:
0x18c: {  	s25 =	sadd.s32 $0x4800, s9;
	(pc) =	sbr.rel @p0 .LBB2_1-.Ltmp4, $4  }
0x18d: {  	[hbm4b:s25+s3] =	stream.linear.scatter [tilespmem:s0], [sflag:$0x5], $0x200, $0x38;
	[tilespmem:$0x8680] =	vst v63  }
0x18e: {  	_ =	swait.ge [sflag:s2], $0x1400  }
0x18f: {  	[sflag:s2] =	ssyncset.done $0x0  }
0x190: {  	[sflag:s2] =	ssyncadd.s32 $0xFFFFEC00  }
0x191: {  	_ =	sfence.sel $0x180000  }
0x192: {  	[bflag:$0x0] =	sbarrier.arrive $0xFFFF  }
0x193: {  	_ =	strace $0x9000004A  }
0x194: {  	s0 =	stileid.u32;
	[bflag:$0x2] =	sbarrier.arrive $0xFFFF  }
0x195: {  	p0 =	sne.s32 s0, $0x0;
	s0 =	rddreg [dreg:$0x2]  }
0x196: {  	s0 =	sadd.s32 @!p0 $0x100000, s0  }
0x197: {  	[sflag:s0] =	ssyncadd.tile.s32 @!p0 $0x1;
	_ =	shalt  }
.Lfunc_end2:
_tile_overlayer_lowered:
.L_overlay_start_2:
0x198: {  	(tag) =	ssettag $0x2  }
0x199: {  	s0 =	rddreg [dreg:$0x0];
	s2 =	stileid.u32  }
0x19a: {  	s1 =	rddreg [dreg:$0x1];
	p0 =	sne.s32 s2, $0x0  }
0x19b: {  	s3 =	rddreg [dreg:$0x2];
	[bflag:$0x3] =	sbarrier.arrive $0xFFFF;
	s2 =	simm.s32 @!p0 $0x1C05  }
0x19c: {  	[timem:s3], [sflag:s2] =	dma.local @!p0 [hbm:s0], s1  }
0x19d: {  	s0 =	simm.s32 @!p0 $0x5  }
0x19e: {  	_ =	swait.ge @!p0 [sflag:s0], s1  }
0x19f: {  	s1 =	ssub.s32 @!p0 $0x0, s1;
	[sflag:s0] =	ssyncset.done @!p0 $0x0  }
0x1a0: {  	[sflag:s0] =	ssyncadd.s32 @!p0 s1  }
0x1a1: {  	[bflag:$0x3] =	sbarrier.arrive $0xFFFF  }
0x1a2: {  	_ =	shalt  }

</sc_bundles>
